<compile_context>
chip_gen: v7x
topology: tpu7x:2x2x1
jax: 0.10.2.dev20260603
libtpu: 0.0.44.dev20260713+nightly
codegen_flags: <defaults>
</compile_context>

<pallas_src>
import functools

import jax
import jax.numpy as jnp
from jax import lax
from jax.experimental import pallas as pl
from jax.experimental.pallas import tpu as pltpu
from jax.experimental.pallas import tpu_sc as plsc

NC = 2
NS = 16
NW = NC * NS


def _sc_gather(table, ctx_idx, q_idx, B, CL, QL, QLP):
    V, D = table.shape
    DP = 2 * D
    b_per_w = B // NW
    ctx_per_w = b_per_w * CL
    q_per_w = b_per_w * QL

    mesh = plsc.VectorSubcoreMesh(core_axis_name="c", subcore_axis_name="s")

    @functools.partial(
        pl.kernel,
        mesh=mesh,
        compiler_params=pltpu.CompilerParams(use_tc_tiling_on_sc=False),
        out_type=(
            jax.ShapeDtypeStruct((B, CL, DP), jnp.float32),
            jax.ShapeDtypeStruct((B, QLP, DP), jnp.float32),
        ),
        scratch_types=[
            pltpu.VMEM((ctx_per_w,), jnp.int32),
            pltpu.VMEM((2 * CL, D), jnp.float32),
            pltpu.VMEM((2 * CL, D), jnp.float32),
            pltpu.SemaphoreType.DMA,
            pltpu.SemaphoreType.DMA,
            pltpu.SemaphoreType.DMA,
            pltpu.SemaphoreType.DMA,
        ],
    )
    def k(table_hbm, ctx_idx_hbm, q_idx_hbm, ctx_out, q_out,
          idx_v, rows0, rows1, sg0, sg1, sw0, sw1):
        wid = lax.axis_index("s") * NC + lax.axis_index("c")
        b_base = wid * b_per_w

        def pipe(idx_hbm, out_hbm, per_w, L, rows_per_chunk):
            C = L * rows_per_chunk
            n = b_per_w // rows_per_chunk
            base = wid * per_w
            pltpu.sync_copy(idx_hbm.at[pl.ds(base, per_w)],
                            idx_v.at[pl.ds(0, per_w)])
            bufs = ((rows0, sg0, sw0), (rows1, sg1, sw1))

            def start_gather(g, rows, sg):
                pltpu.async_copy(
                    table_hbm.at[idx_v.at[pl.ds(g * C, C)]],
                    rows.at[pl.ds(0, C)], sg)

            def wait_gather(rows, sg):
                pltpu.make_async_copy(
                    table_hbm.at[idx_v.at[pl.ds(0, C)]],
                    rows.at[pl.ds(0, C)], sg).wait()

            def start_write(g, rows, sw):
                for r in range(rows_per_chunk):
                    pltpu.async_copy(
                        rows.at[pl.ds(r * L, L)],
                        out_hbm.at[b_base + g * rows_per_chunk + r]
                               .at[pl.ds(0, L), pl.ds(0, D)], sw)

            def wait_write(rows, sw):
                for r in range(rows_per_chunk):
                    pltpu.make_async_copy(
                        rows.at[pl.ds(r * L, L)],
                        out_hbm.at[b_base].at[pl.ds(0, L), pl.ds(0, D)],
                        sw).wait()

            start_gather(0, rows0, sg0)
            start_gather(1, rows1, sg1)

            @pl.loop(0, n, step=2)
            def _(g):
                for j, (rows, sg, sw) in enumerate(bufs):
                    gg = g + j
                    wait_gather(rows, sg)
                    start_write(gg, rows, sw)

                    @pl.when(gg + 2 < n)
                    def _():
                        wait_write(rows, sw)
                        start_gather(gg + 2, rows, sg)

            wait_write(rows0, sw0)
            wait_write(rows1, sw1)

        pipe(ctx_idx_hbm, ctx_out, ctx_per_w, CL, 2)
        pipe(q_idx_hbm, q_out, q_per_w, QL, 2)

    return k(table, ctx_idx, q_idx)


def kernel(word_embeddings, input_context, input_question):
    B, CL = input_context.shape
    _, QL = input_question.shape
    D = word_embeddings.shape[1]
    QLP = (QL + 7) // 8 * 8
    ctx_idx = input_context.reshape(-1).astype(jnp.int32)
    q_idx = input_question.reshape(-1).astype(jnp.int32)
    ctx_pad, q_pad = _sc_gather(word_embeddings, ctx_idx, q_idx,
                                B, CL, QL, QLP)
    return (ctx_pad[:, :, :D], q_pad[:, :QL, :D])

# --- scband reference (transcript-rebuilt; emitter-appended) ---
"""Pipeline reference for scband-word-embedding-48928267436496 (READ-ONLY COPY).

The authoritative reference and input builder live on the scoring server;
editing this copy changes nothing except your own understanding.
"""

import jax, jax.numpy as jnp
import numpy as np

VOCAB = 1000000
EMBED_DIM = 64
BATCH = 4096
CTX_LEN = 200
Q_LEN = 20


def setup_inputs(seed: int = 0) -> dict:
    key = jax.random.key(seed)
    k1, k2, k3 = jax.random.split(key, 3)
    word_embeddings = jax.random.normal(k1, (VOCAB, EMBED_DIM), dtype=jnp.float32)
    input_context = jax.random.randint(k2, (BATCH, CTX_LEN), 0, VOCAB, dtype=jnp.int64 if jax.config.jax_enable_x64 else jnp.int32)
    input_question = jax.random.randint(k3, (BATCH, Q_LEN), 0, VOCAB, dtype=jnp.int64 if jax.config.jax_enable_x64 else jnp.int32)
    return {"word_embeddings": word_embeddings, "input_context": input_context, "input_question": input_question}


def reference(word_embeddings, input_context, input_question):
    # Embedding lookup (gather). Dropout is identity in eval mode (training=False),
    # matching the torch module run under model.eval().
    context_word_emb = jnp.take(word_embeddings, input_context, axis=0)
    question_word_emb = jnp.take(word_embeddings, input_question, axis=0)
    return (context_word_emb, question_word_emb)

if __name__ == "__main__":
    import jax
    _d = setup_inputs()
    print(jax.jit(kernel)(*tuple(_d.values())))

</pallas_src>

<mosaic_0001>
#map = affine_map<(d0, d1) -> (0, 0)>
#map1 = affine_map<(d0, d1) -> (0)>
#map2 = affine_map<(d0, d1) -> (0, 0, 0)>
module attributes {stable_mosaic.version = 14 : i64} {
  func.func @k(%arg0: i32, %arg1: i32, %arg2: memref<1000000x64xf32, #tpu.memory_space<hbm>>, %arg3: memref<819200xi32, #tpu.memory_space<hbm>>, %arg4: memref<81920xi32, #tpu.memory_space<hbm>>, %arg5: memref<4096x200x128xf32, #tpu.memory_space<hbm>>, %arg6: memref<4096x24x128xf32, #tpu.memory_space<hbm>>, %arg7: memref<25600xi32, #tpu.memory_space<vmem>>, %arg8: memref<400x64xf32, #tpu.memory_space<vmem>>, %arg9: memref<400x64xf32, #tpu.memory_space<vmem>>, %arg10: memref<!tpu.dma_semaphore, #tpu.memory_space<semaphore_mem>>, %arg11: memref<!tpu.dma_semaphore, #tpu.memory_space<semaphore_mem>>, %arg12: memref<!tpu.dma_semaphore, #tpu.memory_space<semaphore_mem>>, %arg13: memref<!tpu.dma_semaphore, #tpu.memory_space<semaphore_mem>>) attributes {dimension_semantics = [#tpu.dimension_semantics<core_parallel>, #tpu.dimension_semantics<subcore_parallel>], iteration_bounds = array<i64: 2, 16>, scalar_prefetch = 0 : i64, scratch_operands = 7 : i64, tpu.core_type = #tpu.core_type<sc_vector_subcore>, window_params = [{transform_indices = #map}, {transform_indices = #map1}, {transform_indices = #map1}, {transform_indices = #map2}, {transform_indices = #map2}]} {
    %mul3A = arith.constant 2 : i32
    %mul3A_0 = arith.muli %arg1, %mul3A : i32
    %add3A = arith.addi %mul3A_0, %arg0 : i32
    %mul3A_1 = arith.constant 128 : i32
    %mul3A_2 = arith.muli %add3A, %mul3A_1 : i32
    %mul3A_3 = arith.constant 25600 : i32
    %mul3A_4 = arith.muli %add3A, %mul3A_3 : i32
    "tpu.region"() ({
      %run_scoped3A = tpu.sem_alloc : memref<!tpu.dma_semaphore, #tpu.memory_space<semaphore_mem>>
      %dma_start3A_206 = arith.constant 0 : i32
      %dma_start3A_207 = tpu.memref_slice %arg7[%dma_start3A_206] : memref<25600xi32, #tpu.memory_space<vmem>> -> memref<25600xi32, #tpu.memory_space<vmem>>
      %dma_start3A_208 = tpu.memref_slice %arg3[%mul3A_4] : memref<819200xi32, #tpu.memory_space<hbm>> -> memref<25600xi32, #tpu.memory_space<hbm>>
      %dma_start3A_209 = arith.constant 0 : i32
      %dma_start3A_210 = tpu.memref_slice %arg7[%dma_start3A_209] : memref<25600xi32, #tpu.memory_space<vmem>> -> memref<25600xi32, #tpu.memory_space<vmem>>
      %dma_start3A_211 = tpu.memref_slice %arg3[%mul3A_4] : memref<819200xi32, #tpu.memory_space<hbm>> -> memref<25600xi32, #tpu.memory_space<hbm>>
      tpu.enqueue_dma source(%dma_start3A_211 : memref<25600xi32, #tpu.memory_space<hbm>>) target(%dma_start3A_210 : memref<25600xi32, #tpu.memory_space<vmem>>) target_semaphore(%run_scoped3A : memref<!tpu.dma_semaphore, #tpu.memory_space<semaphore_mem>>)
      %dma_wait3A_212 = arith.constant 0 : i32
      %dma_wait3A_213 = tpu.memref_slice %arg7[%dma_wait3A_212] : memref<25600xi32, #tpu.memory_space<vmem>> -> memref<25600xi32, #tpu.memory_space<vmem>>
      %dma_wait3A_214 = tpu.memref_slice %arg3[%mul3A_4] : memref<819200xi32, #tpu.memory_space<hbm>> -> memref<25600xi32, #tpu.memory_space<hbm>>
      %dma_wait3A_215 = arith.constant 0 : i32
      %dma_wait3A_216 = tpu.memref_slice %arg7[%dma_wait3A_215] : memref<25600xi32, #tpu.memory_space<vmem>> -> memref<25600xi32, #tpu.memory_space<vmem>>
      %dma_wait3A_217 = tpu.memref_slice %arg3[%mul3A_4] : memref<819200xi32, #tpu.memory_space<hbm>> -> memref<25600xi32, #tpu.memory_space<hbm>>
      tpu.wait_dma2 semaphore(%run_scoped3A : memref<!tpu.dma_semaphore, #tpu.memory_space<semaphore_mem>>) src(%dma_wait3A_217 : memref<25600xi32, #tpu.memory_space<hbm>>) dst(%dma_wait3A_216 : memref<25600xi32, #tpu.memory_space<vmem>>)
      tpu.yield
    }) : () -> ()
    %dma_start3A = arith.constant 0 : i32
    %dma_start3A_5 = arith.constant 0 : i32
    %dma_start3A_6 = tpu.memref_slice %arg8[%dma_start3A, %dma_start3A_5] : memref<400x64xf32, #tpu.memory_space<vmem>> -> memref<400x64xf32, #tpu.memory_space<vmem>>
    %dma_start3A_7 = arith.constant 0 : i32
    %dma_start3A_8 = tpu.memref_slice %arg7[%dma_start3A_7] : memref<25600xi32, #tpu.memory_space<vmem>> -> memref<400xi32, #tpu.memory_space<vmem>>
    %dma_start3A_9 = arith.constant 0 : i32
    %dma_start3A_10 = arith.constant 0 : i32
    %dma_start3A_11 = tpu.memref_slice %arg2[%dma_start3A_9, %dma_start3A_10] : memref<1000000x64xf32, #tpu.memory_space<hbm>> -> memref<1000000x64xf32, #tpu.memory_space<hbm>>
    tpu.enqueue_indirect_dma source(%dma_start3A_11 : memref<1000000x64xf32, #tpu.memory_space<hbm>>) target(%dma_start3A_6 : memref<400x64xf32, #tpu.memory_space<vmem>>) offsets(%dma_start3A_8 : memref<400xi32, #tpu.memory_space<vmem>>) semaphore(%arg10 : memref<!tpu.dma_semaphore, #tpu.memory_space<semaphore_mem>>)
    %dma_start3A_12 = arith.constant 0 : i32
    %dma_start3A_13 = arith.constant 0 : i32
    %dma_start3A_14 = tpu.memref_slice %arg9[%dma_start3A_12, %dma_start3A_13] : memref<400x64xf32, #tpu.memory_space<vmem>> -> memref<400x64xf32, #tpu.memory_space<vmem>>
    %dma_start3A_15 = arith.constant 400 : i32
    %dma_start3A_16 = tpu.memref_slice %arg7[%dma_start3A_15] : memref<25600xi32, #tpu.memory_space<vmem>> -> memref<400xi32, #tpu.memory_space<vmem>>
    %dma_start3A_17 = arith.constant 0 : i32
    %dma_start3A_18 = arith.constant 0 : i32
    %dma_start3A_19 = tpu.memref_slice %arg2[%dma_start3A_17, %dma_start3A_18] : memref<1000000x64xf32, #tpu.memory_space<hbm>> -> memref<1000000x64xf32, #tpu.memory_space<hbm>>
    tpu.enqueue_indirect_dma source(%dma_start3A_19 : memref<1000000x64xf32, #tpu.memory_space<hbm>>) target(%dma_start3A_14 : memref<400x64xf32, #tpu.memory_space<vmem>>) offsets(%dma_start3A_16 : memref<400xi32, #tpu.memory_space<vmem>>) semaphore(%arg11 : memref<!tpu.dma_semaphore, #tpu.memory_space<semaphore_mem>>)
    %scan3A = arith.constant 0 : i32
    %scan3A_20 = arith.constant 32 : i32
    %scan3A_21 = arith.addi %scan3A, %scan3A_20 : i32
    %scan3A_22 = arith.constant 1 : i32
    scf.for %scan3A_206 = %scan3A to %scan3A_21 step %scan3A_22  : i32 {
      %mul3A_207 = arith.constant 2 : i32
      %mul3A_208 = arith.muli %scan3A_206, %mul3A_207 : i32
      %add3A_209 = arith.constant 0 : i32
      %add3A_210 = arith.addi %add3A_209, %mul3A_208 : i32
      %add3A_211 = arith.constant 0 : i32
      %add3A_212 = arith.addi %add3A_210, %add3A_211 : i32
      %dma_wait3A_213 = arith.constant 0 : i32
      %dma_wait3A_214 = arith.constant 0 : i32
      %dma_wait3A_215 = tpu.memref_slice %arg8[%dma_wait3A_213, %dma_wait3A_214] : memref<400x64xf32, #tpu.memory_space<vmem>> -> memref<400x64xf32, #tpu.memory_space<vmem>>
      %dma_wait3A_216 = arith.constant 0 : i32
      %dma_wait3A_217 = tpu.memref_slice %arg7[%dma_wait3A_216] : memref<25600xi32, #tpu.memory_space<vmem>> -> memref<400xi32, #tpu.memory_space<vmem>>
      %dma_wait3A_218 = arith.constant 0 : i32
      %dma_wait3A_219 = arith.constant 0 : i32
      %dma_wait3A_220 = tpu.memref_slice %arg2[%dma_wait3A_218, %dma_wait3A_219] : memref<1000000x64xf32, #tpu.memory_space<hbm>> -> memref<1000000x64xf32, #tpu.memory_space<hbm>>
      tpu.wait_indirect_dma semaphore(%arg10 : memref<!tpu.dma_semaphore, #tpu.memory_space<semaphore_mem>>) src(%dma_wait3A_220 : memref<1000000x64xf32, #tpu.memory_space<hbm>>) dst(%dma_wait3A_215 : memref<400x64xf32, #tpu.memory_space<vmem>>)
      %mul3A_221 = arith.constant 2 : i32
      %mul3A_222 = arith.muli %add3A_212, %mul3A_221 : i32
      %add3A_223 = arith.addi %mul3A_2, %mul3A_222 : i32
      %add3A_224 = arith.constant 0 : i32
      %add3A_225 = arith.addi %add3A_223, %add3A_224 : i32
      %dma_start3A_226 = arith.constant 0 : i32
      %dma_start3A_227 = arith.constant 0 : i32
      %dma_start3A_228 = tpu.memref_slice %arg8[%dma_start3A_226, %dma_start3A_227] : memref<400x64xf32, #tpu.memory_space<vmem>> -> memref<200x64xf32, #tpu.memory_space<vmem>>
      %dma_start3A_229 = arith.constant 0 : i32
      %dma_start3A_230 = arith.constant 0 : i32
      %dma_start3A_231 = tpu.memref_slice %arg5[%add3A_225, %dma_start3A_229, %dma_start3A_230] : memref<4096x200x128xf32, #tpu.memory_space<hbm>> -> memref<1x200x128xf32, #tpu.memory_space<hbm>>
      %dma_start3A_232 = tpu.memref_squeeze %dma_start3A_231 : memref<1x200x128xf32, #tpu.memory_space<hbm>> -> memref<200x128xf32, #tpu.memory_space<hbm>>
      %dma_start3A_233 = arith.constant 0 : i32
      %dma_start3A_234 = arith.constant 0 : i32
      %dma_start3A_235 = tpu.memref_slice %dma_start3A_232[%dma_start3A_233, %dma_start3A_234] : memref<200x128xf32, #tpu.memory_space<hbm>> -> memref<200x64xf32, #tpu.memory_space<hbm>>
      %dma_start3A_236 = arith.constant 0 : i32
      %dma_start3A_237 = arith.constant 0 : i32
      %dma_start3A_238 = tpu.memref_slice %arg5[%add3A_225, %dma_start3A_236, %dma_start3A_237] : memref<4096x200x128xf32, #tpu.memory_space<hbm>> -> memref<1x200x128xf32, #tpu.memory_space<hbm>>
      %dma_start3A_239 = tpu.memref_squeeze %dma_start3A_238 : memref<1x200x128xf32, #tpu.memory_space<hbm>> -> memref<200x128xf32, #tpu.memory_space<hbm>>
      %dma_start3A_240 = arith.constant 0 : i32
      %dma_start3A_241 = arith.constant 0 : i32
      %dma_start3A_242 = tpu.memref_slice %dma_start3A_239[%dma_start3A_240, %dma_start3A_241] : memref<200x128xf32, #tpu.memory_space<hbm>> -> memref<200x64xf32, #tpu.memory_space<hbm>>
      %dma_start3A_243 = arith.constant 0 : i32
      %dma_start3A_244 = arith.constant 0 : i32
      %dma_start3A_245 = tpu.memref_slice %arg8[%dma_start3A_243, %dma_start3A_244] : memref<400x64xf32, #tpu.memory_space<vmem>> -> memref<200x64xf32, #tpu.memory_space<vmem>>
      tpu.enqueue_dma source(%dma_start3A_245 : memref<200x64xf32, #tpu.memory_space<vmem>>) target(%dma_start3A_242 : memref<200x64xf32, #tpu.memory_space<hbm>>) target_semaphore(%arg12 : memref<!tpu.dma_semaphore, #tpu.memory_space<semaphore_mem>>)
      %mul3A_246 = arith.constant 2 : i32
      %mul3A_247 = arith.muli %add3A_212, %mul3A_246 : i32
      %add3A_248 = arith.addi %mul3A_2, %mul3A_247 : i32
      %add3A_249 = arith.constant 1 : i32
      %add3A_250 = arith.addi %add3A_248, %add3A_249 : i32
      %dma_start3A_251 = arith.constant 200 : i32
      %dma_start3A_252 = arith.constant 0 : i32
      %dma_start3A_253 = tpu.memref_slice %arg8[%dma_start3A_251, %dma_start3A_252] : memref<400x64xf32, #tpu.memory_space<vmem>> -> memref<200x64xf32, #tpu.memory_space<vmem>>
      %dma_start3A_254 = arith.constant 0 : i32
      %dma_start3A_255 = arith.constant 0 : i32
      %dma_start3A_256 = tpu.memref_slice %arg5[%add3A_250, %dma_start3A_254, %dma_start3A_255] : memref<4096x200x128xf32, #tpu.memory_space<hbm>> -> memref<1x200x128xf32, #tpu.memory_space<hbm>>
      %dma_start3A_257 = tpu.memref_squeeze %dma_start3A_256 : memref<1x200x128xf32, #tpu.memory_space<hbm>> -> memref<200x128xf32, #tpu.memory_space<hbm>>
      %dma_start3A_258 = arith.constant 0 : i32
      %dma_start3A_259 = arith.constant 0 : i32
      %dma_start3A_260 = tpu.memref_slice %dma_start3A_257[%dma_start3A_258, %dma_start3A_259] : memref<200x128xf32, #tpu.memory_space<hbm>> -> memref<200x64xf32, #tpu.memory_space<hbm>>
      %dma_start3A_261 = arith.constant 0 : i32
      %dma_start3A_262 = arith.constant 0 : i32
      %dma_start3A_263 = tpu.memref_slice %arg5[%add3A_250, %dma_start3A_261, %dma_start3A_262] : memref<4096x200x128xf32, #tpu.memory_space<hbm>> -> memref<1x200x128xf32, #tpu.memory_space<hbm>>
      %dma_start3A_264 = tpu.memref_squeeze %dma_start3A_263 : memref<1x200x128xf32, #tpu.memory_space<hbm>> -> memref<200x128xf32, #tpu.memory_space<hbm>>
      %dma_start3A_265 = arith.constant 0 : i32
      %dma_start3A_266 = arith.constant 0 : i32
      %dma_start3A_267 = tpu.memref_slice %dma_start3A_264[%dma_start3A_265, %dma_start3A_266] : memref<200x128xf32, #tpu.memory_space<hbm>> -> memref<200x64xf32, #tpu.memory_space<hbm>>
      %dma_start3A_268 = arith.constant 200 : i32
      %dma_start3A_269 = arith.constant 0 : i32
      %dma_start3A_270 = tpu.memref_slice %arg8[%dma_start3A_268, %dma_start3A_269] : memref<400x64xf32, #tpu.memory_space<vmem>> -> memref<200x64xf32, #tpu.memory_space<vmem>>
      tpu.enqueue_dma source(%dma_start3A_270 : memref<200x64xf32, #tpu.memory_space<vmem>>) target(%dma_start3A_267 : memref<200x64xf32, #tpu.memory_space<hbm>>) target_semaphore(%arg12 : memref<!tpu.dma_semaphore, #tpu.memory_space<semaphore_mem>>)
      %add3A_271 = arith.constant 2 : i32
      %add3A_272 = arith.addi %add3A_212, %add3A_271 : i32
      %lt3A = arith.constant 64 : i32
      %lt3A_273 = arith.cmpi slt, %add3A_272, %lt3A : i32
      %convert_element_type3A = arith.extui %lt3A_273 : i1 to i32
      %cond3A = arith.constant 0 : i32
      %cond3A_274 = arith.cmpi ne, %convert_element_type3A, %cond3A : i32
      scf.if %cond3A_274 {
        %dma_wait3A_342 = arith.constant 0 : i32
        %dma_wait3A_343 = arith.constant 0 : i32
        %dma_wait3A_344 = tpu.memref_slice %arg8[%dma_wait3A_342, %dma_wait3A_343] : memref<400x64xf32, #tpu.memory_space<vmem>> -> memref<200x64xf32, #tpu.memory_space<vmem>>
        %dma_wait3A_345 = arith.constant 0 : i32
        %dma_wait3A_346 = arith.constant 0 : i32
        %dma_wait3A_347 = tpu.memref_slice %arg5[%mul3A_2, %dma_wait3A_345, %dma_wait3A_346] : memref<4096x200x128xf32, #tpu.memory_space<hbm>> -> memref<1x200x128xf32, #tpu.memory_space<hbm>>
        %dma_wait3A_348 = tpu.memref_squeeze %dma_wait3A_347 : memref<1x200x128xf32, #tpu.memory_space<hbm>> -> memref<200x128xf32, #tpu.memory_space<hbm>>
        %dma_wait3A_349 = arith.constant 0 : i32
        %dma_wait3A_350 = arith.constant 0 : i32
        %dma_wait3A_351 = tpu.memref_slice %dma_wait3A_348[%dma_wait3A_349, %dma_wait3A_350] : memref<200x128xf32, #tpu.memory_space<hbm>> -> memref<200x64xf32, #tpu.memory_space<hbm>>
        %dma_wait3A_352 = arith.constant 0 : i32
        %dma_wait3A_353 = arith.constant 0 : i32
        %dma_wait3A_354 = tpu.memref_slice %arg5[%mul3A_2, %dma_wait3A_352, %dma_wait3A_353] : memref<4096x200x128xf32, #tpu.memory_space<hbm>> -> memref<1x200x128xf32, #tpu.memory_space<hbm>>
        %dma_wait3A_355 = tpu.memref_squeeze %dma_wait3A_354 : memref<1x200x128xf32, #tpu.memory_space<hbm>> -> memref<200x128xf32, #tpu.memory_space<hbm>>
        %dma_wait3A_356 = arith.constant 0 : i32
        %dma_wait3A_357 = arith.constant 0 : i32
        %dma_wait3A_358 = tpu.memref_slice %dma_wait3A_355[%dma_wait3A_356, %dma_wait3A_357] : memref<200x128xf32, #tpu.memory_space<hbm>> -> memref<200x64xf32, #tpu.memory_space<hbm>>
        %dma_wait3A_359 = arith.constant 0 : i32
        %dma_wait3A_360 = arith.constant 0 : i32
        %dma_wait3A_361 = tpu.memref_slice %arg8[%dma_wait3A_359, %dma_wait3A_360] : memref<400x64xf32, #tpu.memory_space<vmem>> -> memref<200x64xf32, #tpu.memory_space<vmem>>
        tpu.wait_dma2 semaphore(%arg12 : memref<!tpu.dma_semaphore, #tpu.memory_space<semaphore_mem>>) src(%dma_wait3A_361 : memref<200x64xf32, #tpu.memory_space<vmem>>) dst(%dma_wait3A_358 : memref<200x64xf32, #tpu.memory_space<hbm>>)
        %dma_wait3A_362 = arith.constant 200 : i32
        %dma_wait3A_363 = arith.constant 0 : i32
        %dma_wait3A_364 = tpu.memref_slice %arg8[%dma_wait3A_362, %dma_wait3A_363] : memref<400x64xf32, #tpu.memory_space<vmem>> -> memref<200x64xf32, #tpu.memory_space<vmem>>
        %dma_wait3A_365 = arith.constant 0 : i32
        %dma_wait3A_366 = arith.constant 0 : i32
        %dma_wait3A_367 = tpu.memref_slice %arg5[%mul3A_2, %dma_wait3A_365, %dma_wait3A_366] : memref<4096x200x128xf32, #tpu.memory_space<hbm>> -> memref<1x200x128xf32, #tpu.memory_space<hbm>>
        %dma_wait3A_368 = tpu.memref_squeeze %dma_wait3A_367 : memref<1x200x128xf32, #tpu.memory_space<hbm>> -> memref<200x128xf32, #tpu.memory_space<hbm>>
        %dma_wait3A_369 = arith.constant 0 : i32
        %dma_wait3A_370 = arith.constant 0 : i32
        %dma_wait3A_371 = tpu.memref_slice %dma_wait3A_368[%dma_wait3A_369, %dma_wait3A_370] : memref<200x128xf32, #tpu.memory_space<hbm>> -> memref<200x64xf32, #tpu.memory_space<hbm>>
        %dma_wait3A_372 = arith.constant 0 : i32
        %dma_wait3A_373 = arith.constant 0 : i32
        %dma_wait3A_374 = tpu.memref_slice %arg5[%mul3A_2, %dma_wait3A_372, %dma_wait3A_373] : memref<4096x200x128xf32, #tpu.memory_space<hbm>> -> memref<1x200x128xf32, #tpu.memory_space<hbm>>
        %dma_wait3A_375 = tpu.memref_squeeze %dma_wait3A_374 : memref<1x200x128xf32, #tpu.memory_space<hbm>> -> memref<200x128xf32, #tpu.memory_space<hbm>>
        %dma_wait3A_376 = arith.constant 0 : i32
        %dma_wait3A_377 = arith.constant 0 : i32
        %dma_wait3A_378 = tpu.memref_slice %dma_wait3A_375[%dma_wait3A_376, %dma_wait3A_377] : memref<200x128xf32, #tpu.memory_space<hbm>> -> memref<200x64xf32, #tpu.memory_space<hbm>>
        %dma_wait3A_379 = arith.constant 200 : i32
        %dma_wait3A_380 = arith.constant 0 : i32
        %dma_wait3A_381 = tpu.memref_slice %arg8[%dma_wait3A_379, %dma_wait3A_380] : memref<400x64xf32, #tpu.memory_space<vmem>> -> memref<200x64xf32, #tpu.memory_space<vmem>>
        tpu.wait_dma2 semaphore(%arg12 : memref<!tpu.dma_semaphore, #tpu.memory_space<semaphore_mem>>) src(%dma_wait3A_381 : memref<200x64xf32, #tpu.memory_space<vmem>>) dst(%dma_wait3A_378 : memref<200x64xf32, #tpu.memory_space<hbm>>)
        %add3A_382 = arith.constant 2 : i32
        %add3A_383 = arith.addi %add3A_212, %add3A_382 : i32
        %mul3A_384 = arith.constant 400 : i32
        %mul3A_385 = arith.muli %add3A_383, %mul3A_384 : i32
        %dma_start3A_386 = arith.constant 0 : i32
        %dma_start3A_387 = arith.constant 0 : i32
        %dma_start3A_388 = tpu.memref_slice %arg8[%dma_start3A_386, %dma_start3A_387] : memref<400x64xf32, #tpu.memory_space<vmem>> -> memref<400x64xf32, #tpu.memory_space<vmem>>
        %dma_start3A_389 = tpu.memref_slice %arg7[%mul3A_385] : memref<25600xi32, #tpu.memory_space<vmem>> -> memref<400xi32, #tpu.memory_space<vmem>>
        %dma_start3A_390 = arith.constant 0 : i32
        %dma_start3A_391 = arith.constant 0 : i32
        %dma_start3A_392 = tpu.memref_slice %arg2[%dma_start3A_390, %dma_start3A_391] : memref<1000000x64xf32, #tpu.memory_space<hbm>> -> memref<1000000x64xf32, #tpu.memory_space<hbm>>
        tpu.enqueue_indirect_dma source(%dma_start3A_392 : memref<1000000x64xf32, #tpu.memory_space<hbm>>) target(%dma_start3A_388 : memref<400x64xf32, #tpu.memory_space<vmem>>) offsets(%dma_start3A_389 : memref<400xi32, #tpu.memory_space<vmem>>) semaphore(%arg10 : memref<!tpu.dma_semaphore, #tpu.memory_space<semaphore_mem>>)
      } else {
      }
      %add3A_275 = arith.constant 1 : i32
      %add3A_276 = arith.addi %add3A_210, %add3A_275 : i32
      %dma_wait3A_277 = arith.constant 0 : i32
      %dma_wait3A_278 = arith.constant 0 : i32
      %dma_wait3A_279 = tpu.memref_slice %arg9[%dma_wait3A_277, %dma_wait3A_278] : memref<400x64xf32, #tpu.memory_space<vmem>> -> memref<400x64xf32, #tpu.memory_space<vmem>>
      %dma_wait3A_280 = arith.constant 0 : i32
      %dma_wait3A_281 = tpu.memref_slice %arg7[%dma_wait3A_280] : memref<25600xi32, #tpu.memory_space<vmem>> -> memref<400xi32, #tpu.memory_space<vmem>>
      %dma_wait3A_282 = arith.constant 0 : i32
      %dma_wait3A_283 = arith.constant 0 : i32
      %dma_wait3A_284 = tpu.memref_slice %arg2[%dma_wait3A_282, %dma_wait3A_283] : memref<1000000x64xf32, #tpu.memory_space<hbm>> -> memref<1000000x64xf32, #tpu.memory_space<hbm>>
      tpu.wait_indirect_dma semaphore(%arg11 : memref<!tpu.dma_semaphore, #tpu.memory_space<semaphore_mem>>) src(%dma_wait3A_284 : memref<1000000x64xf32, #tpu.memory_space<hbm>>) dst(%dma_wait3A_279 : memref<400x64xf32, #tpu.memory_space<vmem>>)
      %mul3A_285 = arith.constant 2 : i32
      %mul3A_286 = arith.muli %add3A_276, %mul3A_285 : i32
      %add3A_287 = arith.addi %mul3A_2, %mul3A_286 : i32
      %add3A_288 = arith.constant 0 : i32
      %add3A_289 = arith.addi %add3A_287, %add3A_288 : i32
      %dma_start3A_290 = arith.constant 0 : i32
      %dma_start3A_291 = arith.constant 0 : i32
      %dma_start3A_292 = tpu.memref_slice %arg9[%dma_start3A_290, %dma_start3A_291] : memref<400x64xf32, #tpu.memory_space<vmem>> -> memref<200x64xf32, #tpu.memory_space<vmem>>
      %dma_start3A_293 = arith.constant 0 : i32
      %dma_start3A_294 = arith.constant 0 : i32
      %dma_start3A_295 = tpu.memref_slice %arg5[%add3A_289, %dma_start3A_293, %dma_start3A_294] : memref<4096x200x128xf32, #tpu.memory_space<hbm>> -> memref<1x200x128xf32, #tpu.memory_space<hbm>>
      %dma_start3A_296 = tpu.memref_squeeze %dma_start3A_295 : memref<1x200x128xf32, #tpu.memory_space<hbm>> -> memref<200x128xf32, #tpu.memory_space<hbm>>
      %dma_start3A_297 = arith.constant 0 : i32
      %dma_start3A_298 = arith.constant 0 : i32
      %dma_start3A_299 = tpu.memref_slice %dma_start3A_296[%dma_start3A_297, %dma_start3A_298] : memref<200x128xf32, #tpu.memory_space<hbm>> -> memref<200x64xf32, #tpu.memory_space<hbm>>
      %dma_start3A_300 = arith.constant 0 : i32
      %dma_start3A_301 = arith.constant 0 : i32
      %dma_start3A_302 = tpu.memref_slice %arg5[%add3A_289, %dma_start3A_300, %dma_start3A_301] : memref<4096x200x128xf32, #tpu.memory_space<hbm>> -> memref<1x200x128xf32, #tpu.memory_space<hbm>>
      %dma_start3A_303 = tpu.memref_squeeze %dma_start3A_302 : memref<1x200x128xf32, #tpu.memory_space<hbm>> -> memref<200x128xf32, #tpu.memory_space<hbm>>
      %dma_start3A_304 = arith.constant 0 : i32
      %dma_start3A_305 = arith.constant 0 : i32
      %dma_start3A_306 = tpu.memref_slice %dma_start3A_303[%dma_start3A_304, %dma_start3A_305] : memref<200x128xf32, #tpu.memory_space<hbm>> -> memref<200x64xf32, #tpu.memory_space<hbm>>
      %dma_start3A_307 = arith.constant 0 : i32
      %dma_start3A_308 = arith.constant 0 : i32
      %dma_start3A_309 = tpu.memref_slice %arg9[%dma_start3A_307, %dma_start3A_308] : memref<400x64xf32, #tpu.memory_space<vmem>> -> memref<200x64xf32, #tpu.memory_space<vmem>>
      tpu.enqueue_dma source(%dma_start3A_309 : memref<200x64xf32, #tpu.memory_space<vmem>>) target(%dma_start3A_306 : memref<200x64xf32, #tpu.memory_space<hbm>>) target_semaphore(%arg13 : memref<!tpu.dma_semaphore, #tpu.memory_space<semaphore_mem>>)
      %mul3A_310 = arith.constant 2 : i32
      %mul3A_311 = arith.muli %add3A_276, %mul3A_310 : i32
      %add3A_312 = arith.addi %mul3A_2, %mul3A_311 : i32
      %add3A_313 = arith.constant 1 : i32
      %add3A_314 = arith.addi %add3A_312, %add3A_313 : i32
      %dma_start3A_315 = arith.constant 200 : i32
      %dma_start3A_316 = arith.constant 0 : i32
      %dma_start3A_317 = tpu.memref_slice %arg9[%dma_start3A_315, %dma_start3A_316] : memref<400x64xf32, #tpu.memory_space<vmem>> -> memref<200x64xf32, #tpu.memory_space<vmem>>
      %dma_start3A_318 = arith.constant 0 : i32
      %dma_start3A_319 = arith.constant 0 : i32
      %dma_start3A_320 = tpu.memref_slice %arg5[%add3A_314, %dma_start3A_318, %dma_start3A_319] : memref<4096x200x128xf32, #tpu.memory_space<hbm>> -> memref<1x200x128xf32, #tpu.memory_space<hbm>>
      %dma_start3A_321 = tpu.memref_squeeze %dma_start3A_320 : memref<1x200x128xf32, #tpu.memory_space<hbm>> -> memref<200x128xf32, #tpu.memory_space<hbm>>
      %dma_start3A_322 = arith.constant 0 : i32
      %dma_start3A_323 = arith.constant 0 : i32
      %dma_start3A_324 = tpu.memref_slice %dma_start3A_321[%dma_start3A_322, %dma_start3A_323] : memref<200x128xf32, #tpu.memory_space<hbm>> -> memref<200x64xf32, #tpu.memory_space<hbm>>
      %dma_start3A_325 = arith.constant 0 : i32
      %dma_start3A_326 = arith.constant 0 : i32
      %dma_start3A_327 = tpu.memref_slice %arg5[%add3A_314, %dma_start3A_325, %dma_start3A_326] : memref<4096x200x128xf32, #tpu.memory_space<hbm>> -> memref<1x200x128xf32, #tpu.memory_space<hbm>>
      %dma_start3A_328 = tpu.memref_squeeze %dma_start3A_327 : memref<1x200x128xf32, #tpu.memory_space<hbm>> -> memref<200x128xf32, #tpu.memory_space<hbm>>
      %dma_start3A_329 = arith.constant 0 : i32
      %dma_start3A_330 = arith.constant 0 : i32
      %dma_start3A_331 = tpu.memref_slice %dma_start3A_328[%dma_start3A_329, %dma_start3A_330] : memref<200x128xf32, #tpu.memory_space<hbm>> -> memref<200x64xf32, #tpu.memory_space<hbm>>
      %dma_start3A_332 = arith.constant 200 : i32
      %dma_start3A_333 = arith.constant 0 : i32
      %dma_start3A_334 = tpu.memref_slice %arg9[%dma_start3A_332, %dma_start3A_333] : memref<400x64xf32, #tpu.memory_space<vmem>> -> memref<200x64xf32, #tpu.memory_space<vmem>>
      tpu.enqueue_dma source(%dma_start3A_334 : memref<200x64xf32, #tpu.memory_space<vmem>>) target(%dma_start3A_331 : memref<200x64xf32, #tpu.memory_space<hbm>>) target_semaphore(%arg13 : memref<!tpu.dma_semaphore, #tpu.memory_space<semaphore_mem>>)
      %add3A_335 = arith.constant 2 : i32
      %add3A_336 = arith.addi %add3A_276, %add3A_335 : i32
      %lt3A_337 = arith.constant 64 : i32
      %lt3A_338 = arith.cmpi slt, %add3A_336, %lt3A_337 : i32
      %convert_element_type3A_339 = arith.extui %lt3A_338 : i1 to i32
      %cond3A_340 = arith.constant 0 : i32
      %cond3A_341 = arith.cmpi ne, %convert_element_type3A_339, %cond3A_340 : i32
      scf.if %cond3A_341 {
        %dma_wait3A_342 = arith.constant 0 : i32
        %dma_wait3A_343 = arith.constant 0 : i32
        %dma_wait3A_344 = tpu.memref_slice %arg9[%dma_wait3A_342, %dma_wait3A_343] : memref<400x64xf32, #tpu.memory_space<vmem>> -> memref<200x64xf32, #tpu.memory_space<vmem>>
        %dma_wait3A_345 = arith.constant 0 : i32
        %dma_wait3A_346 = arith.constant 0 : i32
        %dma_wait3A_347 = tpu.memref_slice %arg5[%mul3A_2, %dma_wait3A_345, %dma_wait3A_346] : memref<4096x200x128xf32, #tpu.memory_space<hbm>> -> memref<1x200x128xf32, #tpu.memory_space<hbm>>
        %dma_wait3A_348 = tpu.memref_squeeze %dma_wait3A_347 : memref<1x200x128xf32, #tpu.memory_space<hbm>> -> memref<200x128xf32, #tpu.memory_space<hbm>>
        %dma_wait3A_349 = arith.constant 0 : i32
        %dma_wait3A_350 = arith.constant 0 : i32
        %dma_wait3A_351 = tpu.memref_slice %dma_wait3A_348[%dma_wait3A_349, %dma_wait3A_350] : memref<200x128xf32, #tpu.memory_space<hbm>> -> memref<200x64xf32, #tpu.memory_space<hbm>>
        %dma_wait3A_352 = arith.constant 0 : i32
        %dma_wait3A_353 = arith.constant 0 : i32
        %dma_wait3A_354 = tpu.memref_slice %arg5[%mul3A_2, %dma_wait3A_352, %dma_wait3A_353] : memref<4096x200x128xf32, #tpu.memory_space<hbm>> -> memref<1x200x128xf32, #tpu.memory_space<hbm>>
        %dma_wait3A_355 = tpu.memref_squeeze %dma_wait3A_354 : memref<1x200x128xf32, #tpu.memory_space<hbm>> -> memref<200x128xf32, #tpu.memory_space<hbm>>
        %dma_wait3A_356 = arith.constant 0 : i32
        %dma_wait3A_357 = arith.constant 0 : i32
        %dma_wait3A_358 = tpu.memref_slice %dma_wait3A_355[%dma_wait3A_356, %dma_wait3A_357] : memref<200x128xf32, #tpu.memory_space<hbm>> -> memref<200x64xf32, #tpu.memory_space<hbm>>
        %dma_wait3A_359 = arith.constant 0 : i32
        %dma_wait3A_360 = arith.constant 0 : i32
        %dma_wait3A_361 = tpu.memref_slice %arg9[%dma_wait3A_359, %dma_wait3A_360] : memref<400x64xf32, #tpu.memory_space<vmem>> -> memref<200x64xf32, #tpu.memory_space<vmem>>
        tpu.wait_dma2 semaphore(%arg13 : memref<!tpu.dma_semaphore, #tpu.memory_space<semaphore_mem>>) src(%dma_wait3A_361 : memref<200x64xf32, #tpu.memory_space<vmem>>) dst(%dma_wait3A_358 : memref<200x64xf32, #tpu.memory_space<hbm>>)
        %dma_wait3A_362 = arith.constant 200 : i32
        %dma_wait3A_363 = arith.constant 0 : i32
        %dma_wait3A_364 = tpu.memref_slice %arg9[%dma_wait3A_362, %dma_wait3A_363] : memref<400x64xf32, #tpu.memory_space<vmem>> -> memref<200x64xf32, #tpu.memory_space<vmem>>
        %dma_wait3A_365 = arith.constant 0 : i32
        %dma_wait3A_366 = arith.constant 0 : i32
        %dma_wait3A_367 = tpu.memref_slice %arg5[%mul3A_2, %dma_wait3A_365, %dma_wait3A_366] : memref<4096x200x128xf32, #tpu.memory_space<hbm>> -> memref<1x200x128xf32, #tpu.memory_space<hbm>>
        %dma_wait3A_368 = tpu.memref_squeeze %dma_wait3A_367 : memref<1x200x128xf32, #tpu.memory_space<hbm>> -> memref<200x128xf32, #tpu.memory_space<hbm>>
        %dma_wait3A_369 = arith.constant 0 : i32
        %dma_wait3A_370 = arith.constant 0 : i32
        %dma_wait3A_371 = tpu.memref_slice %dma_wait3A_368[%dma_wait3A_369, %dma_wait3A_370] : memref<200x128xf32, #tpu.memory_space<hbm>> -> memref<200x64xf32, #tpu.memory_space<hbm>>
        %dma_wait3A_372 = arith.constant 0 : i32
        %dma_wait3A_373 = arith.constant 0 : i32
        %dma_wait3A_374 = tpu.memref_slice %arg5[%mul3A_2, %dma_wait3A_372, %dma_wait3A_373] : memref<4096x200x128xf32, #tpu.memory_space<hbm>> -> memref<1x200x128xf32, #tpu.memory_space<hbm>>
        %dma_wait3A_375 = tpu.memref_squeeze %dma_wait3A_374 : memref<1x200x128xf32, #tpu.memory_space<hbm>> -> memref<200x128xf32, #tpu.memory_space<hbm>>
        %dma_wait3A_376 = arith.constant 0 : i32
        %dma_wait3A_377 = arith.constant 0 : i32
        %dma_wait3A_378 = tpu.memref_slice %dma_wait3A_375[%dma_wait3A_376, %dma_wait3A_377] : memref<200x128xf32, #tpu.memory_space<hbm>> -> memref<200x64xf32, #tpu.memory_space<hbm>>
        %dma_wait3A_379 = arith.constant 200 : i32
        %dma_wait3A_380 = arith.constant 0 : i32
        %dma_wait3A_381 = tpu.memref_slice %arg9[%dma_wait3A_379, %dma_wait3A_380] : memref<400x64xf32, #tpu.memory_space<vmem>> -> memref<200x64xf32, #tpu.memory_space<vmem>>
        tpu.wait_dma2 semaphore(%arg13 : memref<!tpu.dma_semaphore, #tpu.memory_space<semaphore_mem>>) src(%dma_wait3A_381 : memref<200x64xf32, #tpu.memory_space<vmem>>) dst(%dma_wait3A_378 : memref<200x64xf32, #tpu.memory_space<hbm>>)
        %add3A_382 = arith.constant 2 : i32
        %add3A_383 = arith.addi %add3A_276, %add3A_382 : i32
        %mul3A_384 = arith.constant 400 : i32
        %mul3A_385 = arith.muli %add3A_383, %mul3A_384 : i32
        %dma_start3A_386 = arith.constant 0 : i32
        %dma_start3A_387 = arith.constant 0 : i32
        %dma_start3A_388 = tpu.memref_slice %arg9[%dma_start3A_386, %dma_start3A_387] : memref<400x64xf32, #tpu.memory_space<vmem>> -> memref<400x64xf32, #tpu.memory_space<vmem>>
        %dma_start3A_389 = tpu.memref_slice %arg7[%mul3A_385] : memref<25600xi32, #tpu.memory_space<vmem>> -> memref<400xi32, #tpu.memory_space<vmem>>
        %dma_start3A_390 = arith.constant 0 : i32
        %dma_start3A_391 = arith.constant 0 : i32
        %dma_start3A_392 = tpu.memref_slice %arg2[%dma_start3A_390, %dma_start3A_391] : memref<1000000x64xf32, #tpu.memory_space<hbm>> -> memref<1000000x64xf32, #tpu.memory_space<hbm>>
        tpu.enqueue_indirect_dma source(%dma_start3A_392 : memref<1000000x64xf32, #tpu.memory_space<hbm>>) target(%dma_start3A_388 : memref<400x64xf32, #tpu.memory_space<vmem>>) offsets(%dma_start3A_389 : memref<400xi32, #tpu.memory_space<vmem>>) semaphore(%arg11 : memref<!tpu.dma_semaphore, #tpu.memory_space<semaphore_mem>>)
      } else {
      }
    }
    %scan3A_23 = arith.constant 32 : i32
    %dma_wait3A = arith.constant 0 : i32
    %dma_wait3A_24 = arith.constant 0 : i32
    %dma_wait3A_25 = tpu.memref_slice %arg8[%dma_wait3A, %dma_wait3A_24] : memref<400x64xf32, #tpu.memory_space<vmem>> -> memref<200x64xf32, #tpu.memory_space<vmem>>
    %dma_wait3A_26 = arith.constant 0 : i32
    %dma_wait3A_27 = arith.constant 0 : i32
    %dma_wait3A_28 = tpu.memref_slice %arg5[%mul3A_2, %dma_wait3A_26, %dma_wait3A_27] : memref<4096x200x128xf32, #tpu.memory_space<hbm>> -> memref<1x200x128xf32, #tpu.memory_space<hbm>>
    %dma_wait3A_29 = tpu.memref_squeeze %dma_wait3A_28 : memref<1x200x128xf32, #tpu.memory_space<hbm>> -> memref<200x128xf32, #tpu.memory_space<hbm>>
    %dma_wait3A_30 = arith.constant 0 : i32
    %dma_wait3A_31 = arith.constant 0 : i32
    %dma_wait3A_32 = tpu.memref_slice %dma_wait3A_29[%dma_wait3A_30, %dma_wait3A_31] : memref<200x128xf32, #tpu.memory_space<hbm>> -> memref<200x64xf32, #tpu.memory_space<hbm>>
    %dma_wait3A_33 = arith.constant 0 : i32
    %dma_wait3A_34 = arith.constant 0 : i32
    %dma_wait3A_35 = tpu.memref_slice %arg5[%mul3A_2, %dma_wait3A_33, %dma_wait3A_34] : memref<4096x200x128xf32, #tpu.memory_space<hbm>> -> memref<1x200x128xf32, #tpu.memory_space<hbm>>
    %dma_wait3A_36 = tpu.memref_squeeze %dma_wait3A_35 : memref<1x200x128xf32, #tpu.memory_space<hbm>> -> memref<200x128xf32, #tpu.memory_space<hbm>>
    %dma_wait3A_37 = arith.constant 0 : i32
    %dma_wait3A_38 = arith.constant 0 : i32
    %dma_wait3A_39 = tpu.memref_slice %dma_wait3A_36[%dma_wait3A_37, %dma_wait3A_38] : memref<200x128xf32, #tpu.memory_space<hbm>> -> memref<200x64xf32, #tpu.memory_space<hbm>>
    %dma_wait3A_40 = arith.constant 0 : i32
    %dma_wait3A_41 = arith.constant 0 : i32
    %dma_wait3A_42 = tpu.memref_slice %arg8[%dma_wait3A_40, %dma_wait3A_41] : memref<400x64xf32, #tpu.memory_space<vmem>> -> memref<200x64xf32, #tpu.memory_space<vmem>>
    tpu.wait_dma2 semaphore(%arg12 : memref<!tpu.dma_semaphore, #tpu.memory_space<semaphore_mem>>) src(%dma_wait3A_42 : memref<200x64xf32, #tpu.memory_space<vmem>>) dst(%dma_wait3A_39 : memref<200x64xf32, #tpu.memory_space<hbm>>)
    %dma_wait3A_43 = arith.constant 200 : i32
    %dma_wait3A_44 = arith.constant 0 : i32
    %dma_wait3A_45 = tpu.memref_slice %arg8[%dma_wait3A_43, %dma_wait3A_44] : memref<400x64xf32, #tpu.memory_space<vmem>> -> memref<200x64xf32, #tpu.memory_space<vmem>>
    %dma_wait3A_46 = arith.constant 0 : i32
    %dma_wait3A_47 = arith.constant 0 : i32
    %dma_wait3A_48 = tpu.memref_slice %arg5[%mul3A_2, %dma_wait3A_46, %dma_wait3A_47] : memref<4096x200x128xf32, #tpu.memory_space<hbm>> -> memref<1x200x128xf32, #tpu.memory_space<hbm>>
    %dma_wait3A_49 = tpu.memref_squeeze %dma_wait3A_48 : memref<1x200x128xf32, #tpu.memory_space<hbm>> -> memref<200x128xf32, #tpu.memory_space<hbm>>
    %dma_wait3A_50 = arith.constant 0 : i32
    %dma_wait3A_51 = arith.constant 0 : i32
    %dma_wait3A_52 = tpu.memref_slice %dma_wait3A_49[%dma_wait3A_50, %dma_wait3A_51] : memref<200x128xf32, #tpu.memory_space<hbm>> -> memref<200x64xf32, #tpu.memory_space<hbm>>
    %dma_wait3A_53 = arith.constant 0 : i32
    %dma_wait3A_54 = arith.constant 0 : i32
    %dma_wait3A_55 = tpu.memref_slice %arg5[%mul3A_2, %dma_wait3A_53, %dma_wait3A_54] : memref<4096x200x128xf32, #tpu.memory_space<hbm>> -> memref<1x200x128xf32, #tpu.memory_space<hbm>>
    %dma_wait3A_56 = tpu.memref_squeeze %dma_wait3A_55 : memref<1x200x128xf32, #tpu.memory_space<hbm>> -> memref<200x128xf32, #tpu.memory_space<hbm>>
    %dma_wait3A_57 = arith.constant 0 : i32
    %dma_wait3A_58 = arith.constant 0 : i32
    %dma_wait3A_59 = tpu.memref_slice %dma_wait3A_56[%dma_wait3A_57, %dma_wait3A_58] : memref<200x128xf32, #tpu.memory_space<hbm>> -> memref<200x64xf32, #tpu.memory_space<hbm>>
    %dma_wait3A_60 = arith.constant 200 : i32
    %dma_wait3A_61 = arith.constant 0 : i32
    %dma_wait3A_62 = tpu.memref_slice %arg8[%dma_wait3A_60, %dma_wait3A_61] : memref<400x64xf32, #tpu.memory_space<vmem>> -> memref<200x64xf32, #tpu.memory_space<vmem>>
    tpu.wait_dma2 semaphore(%arg12 : memref<!tpu.dma_semaphore, #tpu.memory_space<semaphore_mem>>) src(%dma_wait3A_62 : memref<200x64xf32, #tpu.memory_space<vmem>>) dst(%dma_wait3A_59 : memref<200x64xf32, #tpu.memory_space<hbm>>)
    %dma_wait3A_63 = arith.constant 0 : i32
    %dma_wait3A_64 = arith.constant 0 : i32
    %dma_wait3A_65 = tpu.memref_slice %arg9[%dma_wait3A_63, %dma_wait3A_64] : memref<400x64xf32, #tpu.memory_space<vmem>> -> memref<200x64xf32, #tpu.memory_space<vmem>>
    %dma_wait3A_66 = arith.constant 0 : i32
    %dma_wait3A_67 = arith.constant 0 : i32
    %dma_wait3A_68 = tpu.memref_slice %arg5[%mul3A_2, %dma_wait3A_66, %dma_wait3A_67] : memref<4096x200x128xf32, #tpu.memory_space<hbm>> -> memref<1x200x128xf32, #tpu.memory_space<hbm>>
    %dma_wait3A_69 = tpu.memref_squeeze %dma_wait3A_68 : memref<1x200x128xf32, #tpu.memory_space<hbm>> -> memref<200x128xf32, #tpu.memory_space<hbm>>
    %dma_wait3A_70 = arith.constant 0 : i32
    %dma_wait3A_71 = arith.constant 0 : i32
    %dma_wait3A_72 = tpu.memref_slice %dma_wait3A_69[%dma_wait3A_70, %dma_wait3A_71] : memref<200x128xf32, #tpu.memory_space<hbm>> -> memref<200x64xf32, #tpu.memory_space<hbm>>
    %dma_wait3A_73 = arith.constant 0 : i32
    %dma_wait3A_74 = arith.constant 0 : i32
    %dma_wait3A_75 = tpu.memref_slice %arg5[%mul3A_2, %dma_wait3A_73, %dma_wait3A_74] : memref<4096x200x128xf32, #tpu.memory_space<hbm>> -> memref<1x200x128xf32, #tpu.memory_space<hbm>>
    %dma_wait3A_76 = tpu.memref_squeeze %dma_wait3A_75 : memref<1x200x128xf32, #tpu.memory_space<hbm>> -> memref<200x128xf32, #tpu.memory_space<hbm>>
    %dma_wait3A_77 = arith.constant 0 : i32
    %dma_wait3A_78 = arith.constant 0 : i32
    %dma_wait3A_79 = tpu.memref_slice %dma_wait3A_76[%dma_wait3A_77, %dma_wait3A_78] : memref<200x128xf32, #tpu.memory_space<hbm>> -> memref<200x64xf32, #tpu.memory_space<hbm>>
    %dma_wait3A_80 = arith.constant 0 : i32
    %dma_wait3A_81 = arith.constant 0 : i32
    %dma_wait3A_82 = tpu.memref_slice %arg9[%dma_wait3A_80, %dma_wait3A_81] : memref<400x64xf32, #tpu.memory_space<vmem>> -> memref<200x64xf32, #tpu.memory_space<vmem>>
    tpu.wait_dma2 semaphore(%arg13 : memref<!tpu.dma_semaphore, #tpu.memory_space<semaphore_mem>>) src(%dma_wait3A_82 : memref<200x64xf32, #tpu.memory_space<vmem>>) dst(%dma_wait3A_79 : memref<200x64xf32, #tpu.memory_space<hbm>>)
    %dma_wait3A_83 = arith.constant 200 : i32
    %dma_wait3A_84 = arith.constant 0 : i32
    %dma_wait3A_85 = tpu.memref_slice %arg9[%dma_wait3A_83, %dma_wait3A_84] : memref<400x64xf32, #tpu.memory_space<vmem>> -> memref<200x64xf32, #tpu.memory_space<vmem>>
    %dma_wait3A_86 = arith.constant 0 : i32
    %dma_wait3A_87 = arith.constant 0 : i32
    %dma_wait3A_88 = tpu.memref_slice %arg5[%mul3A_2, %dma_wait3A_86, %dma_wait3A_87] : memref<4096x200x128xf32, #tpu.memory_space<hbm>> -> memref<1x200x128xf32, #tpu.memory_space<hbm>>
    %dma_wait3A_89 = tpu.memref_squeeze %dma_wait3A_88 : memref<1x200x128xf32, #tpu.memory_space<hbm>> -> memref<200x128xf32, #tpu.memory_space<hbm>>
    %dma_wait3A_90 = arith.constant 0 : i32
    %dma_wait3A_91 = arith.constant 0 : i32
    %dma_wait3A_92 = tpu.memref_slice %dma_wait3A_89[%dma_wait3A_90, %dma_wait3A_91] : memref<200x128xf32, #tpu.memory_space<hbm>> -> memref<200x64xf32, #tpu.memory_space<hbm>>
    %dma_wait3A_93 = arith.constant 0 : i32
    %dma_wait3A_94 = arith.constant 0 : i32
    %dma_wait3A_95 = tpu.memref_slice %arg5[%mul3A_2, %dma_wait3A_93, %dma_wait3A_94] : memref<4096x200x128xf32, #tpu.memory_space<hbm>> -> memref<1x200x128xf32, #tpu.memory_space<hbm>>
    %dma_wait3A_96 = tpu.memref_squeeze %dma_wait3A_95 : memref<1x200x128xf32, #tpu.memory_space<hbm>> -> memref<200x128xf32, #tpu.memory_space<hbm>>
    %dma_wait3A_97 = arith.constant 0 : i32
    %dma_wait3A_98 = arith.constant 0 : i32
    %dma_wait3A_99 = tpu.memref_slice %dma_wait3A_96[%dma_wait3A_97, %dma_wait3A_98] : memref<200x128xf32, #tpu.memory_space<hbm>> -> memref<200x64xf32, #tpu.memory_space<hbm>>
    %dma_wait3A_100 = arith.constant 200 : i32
    %dma_wait3A_101 = arith.constant 0 : i32
    %dma_wait3A_102 = tpu.memref_slice %arg9[%dma_wait3A_100, %dma_wait3A_101] : memref<400x64xf32, #tpu.memory_space<vmem>> -> memref<200x64xf32, #tpu.memory_space<vmem>>
    tpu.wait_dma2 semaphore(%arg13 : memref<!tpu.dma_semaphore, #tpu.memory_space<semaphore_mem>>) src(%dma_wait3A_102 : memref<200x64xf32, #tpu.memory_space<vmem>>) dst(%dma_wait3A_99 : memref<200x64xf32, #tpu.memory_space<hbm>>)
    %mul3A_103 = arith.constant 2560 : i32
    %mul3A_104 = arith.muli %add3A, %mul3A_103 : i32
    "tpu.region"() ({
      %run_scoped3A = tpu.sem_alloc : memref<!tpu.dma_semaphore, #tpu.memory_space<semaphore_mem>>
      %dma_start3A_206 = arith.constant 0 : i32
      %dma_start3A_207 = tpu.memref_slice %arg7[%dma_start3A_206] : memref<25600xi32, #tpu.memory_space<vmem>> -> memref<2560xi32, #tpu.memory_space<vmem>>
      %dma_start3A_208 = tpu.memref_slice %arg4[%mul3A_104] : memref<81920xi32, #tpu.memory_space<hbm>> -> memref<2560xi32, #tpu.memory_space<hbm>>
      %dma_start3A_209 = arith.constant 0 : i32
      %dma_start3A_210 = tpu.memref_slice %arg7[%dma_start3A_209] : memref<25600xi32, #tpu.memory_space<vmem>> -> memref<2560xi32, #tpu.memory_space<vmem>>
      %dma_start3A_211 = tpu.memref_slice %arg4[%mul3A_104] : memref<81920xi32, #tpu.memory_space<hbm>> -> memref<2560xi32, #tpu.memory_space<hbm>>
      tpu.enqueue_dma source(%dma_start3A_211 : memref<2560xi32, #tpu.memory_space<hbm>>) target(%dma_start3A_210 : memref<2560xi32, #tpu.memory_space<vmem>>) target_semaphore(%run_scoped3A : memref<!tpu.dma_semaphore, #tpu.memory_space<semaphore_mem>>)
      %dma_wait3A_212 = arith.constant 0 : i32
      %dma_wait3A_213 = tpu.memref_slice %arg7[%dma_wait3A_212] : memref<25600xi32, #tpu.memory_space<vmem>> -> memref<2560xi32, #tpu.memory_space<vmem>>
      %dma_wait3A_214 = tpu.memref_slice %arg4[%mul3A_104] : memref<81920xi32, #tpu.memory_space<hbm>> -> memref<2560xi32, #tpu.memory_space<hbm>>
      %dma_wait3A_215 = arith.constant 0 : i32
      %dma_wait3A_216 = tpu.memref_slice %arg7[%dma_wait3A_215] : memref<25600xi32, #tpu.memory_space<vmem>> -> memref<2560xi32, #tpu.memory_space<vmem>>
      %dma_wait3A_217 = tpu.memref_slice %arg4[%mul3A_104] : memref<81920xi32, #tpu.memory_space<hbm>> -> memref<2560xi32, #tpu.memory_space<hbm>>
      tpu.wait_dma2 semaphore(%run_scoped3A : memref<!tpu.dma_semaphore, #tpu.memory_space<semaphore_mem>>) src(%dma_wait3A_217 : memref<2560xi32, #tpu.memory_space<hbm>>) dst(%dma_wait3A_216 : memref<2560xi32, #tpu.memory_space<vmem>>)
      tpu.yield
    }) : () -> ()
    %dma_start3A_105 = arith.constant 0 : i32
    %dma_start3A_106 = arith.constant 0 : i32
    %dma_start3A_107 = tpu.memref_slice %arg8[%dma_start3A_105, %dma_start3A_106] : memref<400x64xf32, #tpu.memory_space<vmem>> -> memref<40x64xf32, #tpu.memory_space<vmem>>
    %dma_start3A_108 = arith.constant 0 : i32
    %dma_start3A_109 = tpu.memref_slice %arg7[%dma_start3A_108] : memref<25600xi32, #tpu.memory_space<vmem>> -> memref<40xi32, #tpu.memory_space<vmem>>
    %dma_start3A_110 = arith.constant 0 : i32
    %dma_start3A_111 = arith.constant 0 : i32
    %dma_start3A_112 = tpu.memref_slice %arg2[%dma_start3A_110, %dma_start3A_111] : memref<1000000x64xf32, #tpu.memory_space<hbm>> -> memref<1000000x64xf32, #tpu.memory_space<hbm>>
    tpu.enqueue_indirect_dma source(%dma_start3A_112 : memref<1000000x64xf32, #tpu.memory_space<hbm>>) target(%dma_start3A_107 : memref<40x64xf32, #tpu.memory_space<vmem>>) offsets(%dma_start3A_109 : memref<40xi32, #tpu.memory_space<vmem>>) semaphore(%arg10 : memref<!tpu.dma_semaphore, #tpu.memory_space<semaphore_mem>>)
    %dma_start3A_113 = arith.constant 0 : i32
    %dma_start3A_114 = arith.constant 0 : i32
    %dma_start3A_115 = tpu.memref_slice %arg9[%dma_start3A_113, %dma_start3A_114] : memref<400x64xf32, #tpu.memory_space<vmem>> -> memref<40x64xf32, #tpu.memory_space<vmem>>
    %dma_start3A_116 = arith.constant 40 : i32
    %dma_start3A_117 = tpu.memref_slice %arg7[%dma_start3A_116] : memref<25600xi32, #tpu.memory_space<vmem>> -> memref<40xi32, #tpu.memory_space<vmem>>
    %dma_start3A_118 = arith.constant 0 : i32
    %dma_start3A_119 = arith.constant 0 : i32
    %dma_start3A_120 = tpu.memref_slice %arg2[%dma_start3A_118, %dma_start3A_119] : memref<1000000x64xf32, #tpu.memory_space<hbm>> -> memref<1000000x64xf32, #tpu.memory_space<hbm>>
    tpu.enqueue_indirect_dma source(%dma_start3A_120 : memref<1000000x64xf32, #tpu.memory_space<hbm>>) target(%dma_start3A_115 : memref<40x64xf32, #tpu.memory_space<vmem>>) offsets(%dma_start3A_117 : memref<40xi32, #tpu.memory_space<vmem>>) semaphore(%arg11 : memref<!tpu.dma_semaphore, #tpu.memory_space<semaphore_mem>>)
    %scan3A_121 = arith.constant 0 : i32
    %scan3A_122 = arith.constant 32 : i32
    %scan3A_123 = arith.addi %scan3A_121, %scan3A_122 : i32
    %scan3A_124 = arith.constant 1 : i32
    scf.for %scan3A_206 = %scan3A_121 to %scan3A_123 step %scan3A_124  : i32 {
      %mul3A_207 = arith.constant 2 : i32
      %mul3A_208 = arith.muli %scan3A_206, %mul3A_207 : i32
      %add3A_209 = arith.constant 0 : i32
      %add3A_210 = arith.addi %add3A_209, %mul3A_208 : i32
      %add3A_211 = arith.constant 0 : i32
      %add3A_212 = arith.addi %add3A_210, %add3A_211 : i32
      %dma_wait3A_213 = arith.constant 0 : i32
      %dma_wait3A_214 = arith.constant 0 : i32
      %dma_wait3A_215 = tpu.memref_slice %arg8[%dma_wait3A_213, %dma_wait3A_214] : memref<400x64xf32, #tpu.memory_space<vmem>> -> memref<40x64xf32, #tpu.memory_space<vmem>>
      %dma_wait3A_216 = arith.constant 0 : i32
      %dma_wait3A_217 = tpu.memref_slice %arg7[%dma_wait3A_216] : memref<25600xi32, #tpu.memory_space<vmem>> -> memref<40xi32, #tpu.memory_space<vmem>>
      %dma_wait3A_218 = arith.constant 0 : i32
      %dma_wait3A_219 = arith.constant 0 : i32
      %dma_wait3A_220 = tpu.memref_slice %arg2[%dma_wait3A_218, %dma_wait3A_219] : memref<1000000x64xf32, #tpu.memory_space<hbm>> -> memref<1000000x64xf32, #tpu.memory_space<hbm>>
      tpu.wait_indirect_dma semaphore(%arg10 : memref<!tpu.dma_semaphore, #tpu.memory_space<semaphore_mem>>) src(%dma_wait3A_220 : memref<1000000x64xf32, #tpu.memory_space<hbm>>) dst(%dma_wait3A_215 : memref<40x64xf32, #tpu.memory_space<vmem>>)
      %mul3A_221 = arith.constant 2 : i32
      %mul3A_222 = arith.muli %add3A_212, %mul3A_221 : i32
      %add3A_223 = arith.addi %mul3A_2, %mul3A_222 : i32
      %add3A_224 = arith.constant 0 : i32
      %add3A_225 = arith.addi %add3A_223, %add3A_224 : i32
      %dma_start3A_226 = arith.constant 0 : i32
      %dma_start3A_227 = arith.constant 0 : i32
      %dma_start3A_228 = tpu.memref_slice %arg8[%dma_start3A_226, %dma_start3A_227] : memref<400x64xf32, #tpu.memory_space<vmem>> -> memref<20x64xf32, #tpu.memory_space<vmem>>
      %dma_start3A_229 = arith.constant 0 : i32
      %dma_start3A_230 = arith.constant 0 : i32
      %dma_start3A_231 = tpu.memref_slice %arg6[%add3A_225, %dma_start3A_229, %dma_start3A_230] : memref<4096x24x128xf32, #tpu.memory_space<hbm>> -> memref<1x24x128xf32, #tpu.memory_space<hbm>>
      %dma_start3A_232 = tpu.memref_squeeze %dma_start3A_231 : memref<1x24x128xf32, #tpu.memory_space<hbm>> -> memref<24x128xf32, #tpu.memory_space<hbm>>
      %dma_start3A_233 = arith.constant 0 : i32
      %dma_start3A_234 = arith.constant 0 : i32
      %dma_start3A_235 = tpu.memref_slice %dma_start3A_232[%dma_start3A_233, %dma_start3A_234] : memref<24x128xf32, #tpu.memory_space<hbm>> -> memref<20x64xf32, #tpu.memory_space<hbm>>
      %dma_start3A_236 = arith.constant 0 : i32
      %dma_start3A_237 = arith.constant 0 : i32
      %dma_start3A_238 = tpu.memref_slice %arg6[%add3A_225, %dma_start3A_236, %dma_start3A_237] : memref<4096x24x128xf32, #tpu.memory_space<hbm>> -> memref<1x24x128xf32, #tpu.memory_space<hbm>>
      %dma_start3A_239 = tpu.memref_squeeze %dma_start3A_238 : memref<1x24x128xf32, #tpu.memory_space<hbm>> -> memref<24x128xf32, #tpu.memory_space<hbm>>
      %dma_start3A_240 = arith.constant 0 : i32
      %dma_start3A_241 = arith.constant 0 : i32
      %dma_start3A_242 = tpu.memref_slice %dma_start3A_239[%dma_start3A_240, %dma_start3A_241] : memref<24x128xf32, #tpu.memory_space<hbm>> -> memref<20x64xf32, #tpu.memory_space<hbm>>
      %dma_start3A_243 = arith.constant 0 : i32
      %dma_start3A_244 = arith.constant 0 : i32
      %dma_start3A_245 = tpu.memref_slice %arg8[%dma_start3A_243, %dma_start3A_244] : memref<400x64xf32, #tpu.memory_space<vmem>> -> memref<20x64xf32, #tpu.memory_space<vmem>>
      tpu.enqueue_dma source(%dma_start3A_245 : memref<20x64xf32, #tpu.memory_space<vmem>>) target(%dma_start3A_242 : memref<20x64xf32, #tpu.memory_space<hbm>>) target_semaphore(%arg12 : memref<!tpu.dma_semaphore, #tpu.memory_space<semaphore_mem>>)
      %mul3A_246 = arith.constant 2 : i32
      %mul3A_247 = arith.muli %add3A_212, %mul3A_246 : i32
      %add3A_248 = arith.addi %mul3A_2, %mul3A_247 : i32
      %add3A_249 = arith.constant 1 : i32
      %add3A_250 = arith.addi %add3A_248, %add3A_249 : i32
      %dma_start3A_251 = arith.constant 20 : i32
      %dma_start3A_252 = arith.constant 0 : i32
      %dma_start3A_253 = tpu.memref_slice %arg8[%dma_start3A_251, %dma_start3A_252] : memref<400x64xf32, #tpu.memory_space<vmem>> -> memref<20x64xf32, #tpu.memory_space<vmem>>
      %dma_start3A_254 = arith.constant 0 : i32
      %dma_start3A_255 = arith.constant 0 : i32
      %dma_start3A_256 = tpu.memref_slice %arg6[%add3A_250, %dma_start3A_254, %dma_start3A_255] : memref<4096x24x128xf32, #tpu.memory_space<hbm>> -> memref<1x24x128xf32, #tpu.memory_space<hbm>>
      %dma_start3A_257 = tpu.memref_squeeze %dma_start3A_256 : memref<1x24x128xf32, #tpu.memory_space<hbm>> -> memref<24x128xf32, #tpu.memory_space<hbm>>
      %dma_start3A_258 = arith.constant 0 : i32
      %dma_start3A_259 = arith.constant 0 : i32
      %dma_start3A_260 = tpu.memref_slice %dma_start3A_257[%dma_start3A_258, %dma_start3A_259] : memref<24x128xf32, #tpu.memory_space<hbm>> -> memref<20x64xf32, #tpu.memory_space<hbm>>
      %dma_start3A_261 = arith.constant 0 : i32
      %dma_start3A_262 = arith.constant 0 : i32
      %dma_start3A_263 = tpu.memref_slice %arg6[%add3A_250, %dma_start3A_261, %dma_start3A_262] : memref<4096x24x128xf32, #tpu.memory_space<hbm>> -> memref<1x24x128xf32, #tpu.memory_space<hbm>>
      %dma_start3A_264 = tpu.memref_squeeze %dma_start3A_263 : memref<1x24x128xf32, #tpu.memory_space<hbm>> -> memref<24x128xf32, #tpu.memory_space<hbm>>
      %dma_start3A_265 = arith.constant 0 : i32
      %dma_start3A_266 = arith.constant 0 : i32
      %dma_start3A_267 = tpu.memref_slice %dma_start3A_264[%dma_start3A_265, %dma_start3A_266] : memref<24x128xf32, #tpu.memory_space<hbm>> -> memref<20x64xf32, #tpu.memory_space<hbm>>
      %dma_start3A_268 = arith.constant 20 : i32
      %dma_start3A_269 = arith.constant 0 : i32
      %dma_start3A_270 = tpu.memref_slice %arg8[%dma_start3A_268, %dma_start3A_269] : memref<400x64xf32, #tpu.memory_space<vmem>> -> memref<20x64xf32, #tpu.memory_space<vmem>>
      tpu.enqueue_dma source(%dma_start3A_270 : memref<20x64xf32, #tpu.memory_space<vmem>>) target(%dma_start3A_267 : memref<20x64xf32, #tpu.memory_space<hbm>>) target_semaphore(%arg12 : memref<!tpu.dma_semaphore, #tpu.memory_space<semaphore_mem>>)
      %add3A_271 = arith.constant 2 : i32
      %add3A_272 = arith.addi %add3A_212, %add3A_271 : i32
      %lt3A = arith.constant 64 : i32
      %lt3A_273 = arith.cmpi slt, %add3A_272, %lt3A : i32
      %convert_element_type3A = arith.extui %lt3A_273 : i1 to i32
      %cond3A = arith.constant 0 : i32
      %cond3A_274 = arith.cmpi ne, %convert_element_type3A, %cond3A : i32
      scf.if %cond3A_274 {
        %dma_wait3A_342 = arith.constant 0 : i32
        %dma_wait3A_343 = arith.constant 0 : i32
        %dma_wait3A_344 = tpu.memref_slice %arg8[%dma_wait3A_342, %dma_wait3A_343] : memref<400x64xf32, #tpu.memory_space<vmem>> -> memref<20x64xf32, #tpu.memory_space<vmem>>
        %dma_wait3A_345 = arith.constant 0 : i32
        %dma_wait3A_346 = arith.constant 0 : i32
        %dma_wait3A_347 = tpu.memref_slice %arg6[%mul3A_2, %dma_wait3A_345, %dma_wait3A_346] : memref<4096x24x128xf32, #tpu.memory_space<hbm>> -> memref<1x24x128xf32, #tpu.memory_space<hbm>>
        %dma_wait3A_348 = tpu.memref_squeeze %dma_wait3A_347 : memref<1x24x128xf32, #tpu.memory_space<hbm>> -> memref<24x128xf32, #tpu.memory_space<hbm>>
        %dma_wait3A_349 = arith.constant 0 : i32
        %dma_wait3A_350 = arith.constant 0 : i32
        %dma_wait3A_351 = tpu.memref_slice %dma_wait3A_348[%dma_wait3A_349, %dma_wait3A_350] : memref<24x128xf32, #tpu.memory_space<hbm>> -> memref<20x64xf32, #tpu.memory_space<hbm>>
        %dma_wait3A_352 = arith.constant 0 : i32
        %dma_wait3A_353 = arith.constant 0 : i32
        %dma_wait3A_354 = tpu.memref_slice %arg6[%mul3A_2, %dma_wait3A_352, %dma_wait3A_353] : memref<4096x24x128xf32, #tpu.memory_space<hbm>> -> memref<1x24x128xf32, #tpu.memory_space<hbm>>
        %dma_wait3A_355 = tpu.memref_squeeze %dma_wait3A_354 : memref<1x24x128xf32, #tpu.memory_space<hbm>> -> memref<24x128xf32, #tpu.memory_space<hbm>>
        %dma_wait3A_356 = arith.constant 0 : i32
        %dma_wait3A_357 = arith.constant 0 : i32
        %dma_wait3A_358 = tpu.memref_slice %dma_wait3A_355[%dma_wait3A_356, %dma_wait3A_357] : memref<24x128xf32, #tpu.memory_space<hbm>> -> memref<20x64xf32, #tpu.memory_space<hbm>>
        %dma_wait3A_359 = arith.constant 0 : i32
        %dma_wait3A_360 = arith.constant 0 : i32
        %dma_wait3A_361 = tpu.memref_slice %arg8[%dma_wait3A_359, %dma_wait3A_360] : memref<400x64xf32, #tpu.memory_space<vmem>> -> memref<20x64xf32, #tpu.memory_space<vmem>>
        tpu.wait_dma2 semaphore(%arg12 : memref<!tpu.dma_semaphore, #tpu.memory_space<semaphore_mem>>) src(%dma_wait3A_361 : memref<20x64xf32, #tpu.memory_space<vmem>>) dst(%dma_wait3A_358 : memref<20x64xf32, #tpu.memory_space<hbm>>)
        %dma_wait3A_362 = arith.constant 20 : i32
        %dma_wait3A_363 = arith.constant 0 : i32
        %dma_wait3A_364 = tpu.memref_slice %arg8[%dma_wait3A_362, %dma_wait3A_363] : memref<400x64xf32, #tpu.memory_space<vmem>> -> memref<20x64xf32, #tpu.memory_space<vmem>>
        %dma_wait3A_365 = arith.constant 0 : i32
        %dma_wait3A_366 = arith.constant 0 : i32
        %dma_wait3A_367 = tpu.memref_slice %arg6[%mul3A_2, %dma_wait3A_365, %dma_wait3A_366] : memref<4096x24x128xf32, #tpu.memory_space<hbm>> -> memref<1x24x128xf32, #tpu.memory_space<hbm>>
        %dma_wait3A_368 = tpu.memref_squeeze %dma_wait3A_367 : memref<1x24x128xf32, #tpu.memory_space<hbm>> -> memref<24x128xf32, #tpu.memory_space<hbm>>
        %dma_wait3A_369 = arith.constant 0 : i32
        %dma_wait3A_370 = arith.constant 0 : i32
        %dma_wait3A_371 = tpu.memref_slice %dma_wait3A_368[%dma_wait3A_369, %dma_wait3A_370] : memref<24x128xf32, #tpu.memory_space<hbm>> -> memref<20x64xf32, #tpu.memory_space<hbm>>
        %dma_wait3A_372 = arith.constant 0 : i32
        %dma_wait3A_373 = arith.constant 0 : i32
        %dma_wait3A_374 = tpu.memref_slice %arg6[%mul3A_2, %dma_wait3A_372, %dma_wait3A_373] : memref<4096x24x128xf32, #tpu.memory_space<hbm>> -> memref<1x24x128xf32, #tpu.memory_space<hbm>>
        %dma_wait3A_375 = tpu.memref_squeeze %dma_wait3A_374 : memref<1x24x128xf32, #tpu.memory_space<hbm>> -> memref<24x128xf32, #tpu.memory_space<hbm>>
        %dma_wait3A_376 = arith.constant 0 : i32
        %dma_wait3A_377 = arith.constant 0 : i32
        %dma_wait3A_378 = tpu.memref_slice %dma_wait3A_375[%dma_wait3A_376, %dma_wait3A_377] : memref<24x128xf32, #tpu.memory_space<hbm>> -> memref<20x64xf32, #tpu.memory_space<hbm>>
        %dma_wait3A_379 = arith.constant 20 : i32
        %dma_wait3A_380 = arith.constant 0 : i32
        %dma_wait3A_381 = tpu.memref_slice %arg8[%dma_wait3A_379, %dma_wait3A_380] : memref<400x64xf32, #tpu.memory_space<vmem>> -> memref<20x64xf32, #tpu.memory_space<vmem>>
        tpu.wait_dma2 semaphore(%arg12 : memref<!tpu.dma_semaphore, #tpu.memory_space<semaphore_mem>>) src(%dma_wait3A_381 : memref<20x64xf32, #tpu.memory_space<vmem>>) dst(%dma_wait3A_378 : memref<20x64xf32, #tpu.memory_space<hbm>>)
        %add3A_382 = arith.constant 2 : i32
        %add3A_383 = arith.addi %add3A_212, %add3A_382 : i32
        %mul3A_384 = arith.constant 40 : i32
        %mul3A_385 = arith.muli %add3A_383, %mul3A_384 : i32
        %dma_start3A_386 = arith.constant 0 : i32
        %dma_start3A_387 = arith.constant 0 : i32
        %dma_start3A_388 = tpu.memref_slice %arg8[%dma_start3A_386, %dma_start3A_387] : memref<400x64xf32, #tpu.memory_space<vmem>> -> memref<40x64xf32, #tpu.memory_space<vmem>>
        %dma_start3A_389 = tpu.memref_slice %arg7[%mul3A_385] : memref<25600xi32, #tpu.memory_space<vmem>> -> memref<40xi32, #tpu.memory_space<vmem>>
        %dma_start3A_390 = arith.constant 0 : i32
        %dma_start3A_391 = arith.constant 0 : i32
        %dma_start3A_392 = tpu.memref_slice %arg2[%dma_start3A_390, %dma_start3A_391] : memref<1000000x64xf32, #tpu.memory_space<hbm>> -> memref<1000000x64xf32, #tpu.memory_space<hbm>>
        tpu.enqueue_indirect_dma source(%dma_start3A_392 : memref<1000000x64xf32, #tpu.memory_space<hbm>>) target(%dma_start3A_388 : memref<40x64xf32, #tpu.memory_space<vmem>>) offsets(%dma_start3A_389 : memref<40xi32, #tpu.memory_space<vmem>>) semaphore(%arg10 : memref<!tpu.dma_semaphore, #tpu.memory_space<semaphore_mem>>)
      } else {
      }
      %add3A_275 = arith.constant 1 : i32
      %add3A_276 = arith.addi %add3A_210, %add3A_275 : i32
      %dma_wait3A_277 = arith.constant 0 : i32
      %dma_wait3A_278 = arith.constant 0 : i32
      %dma_wait3A_279 = tpu.memref_slice %arg9[%dma_wait3A_277, %dma_wait3A_278] : memref<400x64xf32, #tpu.memory_space<vmem>> -> memref<40x64xf32, #tpu.memory_space<vmem>>
      %dma_wait3A_280 = arith.constant 0 : i32
      %dma_wait3A_281 = tpu.memref_slice %arg7[%dma_wait3A_280] : memref<25600xi32, #tpu.memory_space<vmem>> -> memref<40xi32, #tpu.memory_space<vmem>>
      %dma_wait3A_282 = arith.constant 0 : i32
      %dma_wait3A_283 = arith.constant 0 : i32
      %dma_wait3A_284 = tpu.memref_slice %arg2[%dma_wait3A_282, %dma_wait3A_283] : memref<1000000x64xf32, #tpu.memory_space<hbm>> -> memref<1000000x64xf32, #tpu.memory_space<hbm>>
      tpu.wait_indirect_dma semaphore(%arg11 : memref<!tpu.dma_semaphore, #tpu.memory_space<semaphore_mem>>) src(%dma_wait3A_284 : memref<1000000x64xf32, #tpu.memory_space<hbm>>) dst(%dma_wait3A_279 : memref<40x64xf32, #tpu.memory_space<vmem>>)
      %mul3A_285 = arith.constant 2 : i32
      %mul3A_286 = arith.muli %add3A_276, %mul3A_285 : i32
      %add3A_287 = arith.addi %mul3A_2, %mul3A_286 : i32
      %add3A_288 = arith.constant 0 : i32
      %add3A_289 = arith.addi %add3A_287, %add3A_288 : i32
      %dma_start3A_290 = arith.constant 0 : i32
      %dma_start3A_291 = arith.constant 0 : i32
      %dma_start3A_292 = tpu.memref_slice %arg9[%dma_start3A_290, %dma_start3A_291] : memref<400x64xf32, #tpu.memory_space<vmem>> -> memref<20x64xf32, #tpu.memory_space<vmem>>
      %dma_start3A_293 = arith.constant 0 : i32
      %dma_start3A_294 = arith.constant 0 : i32
      %dma_start3A_295 = tpu.memref_slice %arg6[%add3A_289, %dma_start3A_293, %dma_start3A_294] : memref<4096x24x128xf32, #tpu.memory_space<hbm>> -> memref<1x24x128xf32, #tpu.memory_space<hbm>>
      %dma_start3A_296 = tpu.memref_squeeze %dma_start3A_295 : memref<1x24x128xf32, #tpu.memory_space<hbm>> -> memref<24x128xf32, #tpu.memory_space<hbm>>
      %dma_start3A_297 = arith.constant 0 : i32
      %dma_start3A_298 = arith.constant 0 : i32
      %dma_start3A_299 = tpu.memref_slice %dma_start3A_296[%dma_start3A_297, %dma_start3A_298] : memref<24x128xf32, #tpu.memory_space<hbm>> -> memref<20x64xf32, #tpu.memory_space<hbm>>
      %dma_start3A_300 = arith.constant 0 : i32
      %dma_start3A_301 = arith.constant 0 : i32
      %dma_start3A_302 = tpu.memref_slice %arg6[%add3A_289, %dma_start3A_300, %dma_start3A_301] : memref<4096x24x128xf32, #tpu.memory_space<hbm>> -> memref<1x24x128xf32, #tpu.memory_space<hbm>>
      %dma_start3A_303 = tpu.memref_squeeze %dma_start3A_302 : memref<1x24x128xf32, #tpu.memory_space<hbm>> -> memref<24x128xf32, #tpu.memory_space<hbm>>
      %dma_start3A_304 = arith.constant 0 : i32
      %dma_start3A_305 = arith.constant 0 : i32
      %dma_start3A_306 = tpu.memref_slice %dma_start3A_303[%dma_start3A_304, %dma_start3A_305] : memref<24x128xf32, #tpu.memory_space<hbm>> -> memref<20x64xf32, #tpu.memory_space<hbm>>
      %dma_start3A_307 = arith.constant 0 : i32
      %dma_start3A_308 = arith.constant 0 : i32
      %dma_start3A_309 = tpu.memref_slice %arg9[%dma_start3A_307, %dma_start3A_308] : memref<400x64xf32, #tpu.memory_space<vmem>> -> memref<20x64xf32, #tpu.memory_space<vmem>>
      tpu.enqueue_dma source(%dma_start3A_309 : memref<20x64xf32, #tpu.memory_space<vmem>>) target(%dma_start3A_306 : memref<20x64xf32, #tpu.memory_space<hbm>>) target_semaphore(%arg13 : memref<!tpu.dma_semaphore, #tpu.memory_space<semaphore_mem>>)
      %mul3A_310 = arith.constant 2 : i32
      %mul3A_311 = arith.muli %add3A_276, %mul3A_310 : i32
      %add3A_312 = arith.addi %mul3A_2, %mul3A_311 : i32
      %add3A_313 = arith.constant 1 : i32
      %add3A_314 = arith.addi %add3A_312, %add3A_313 : i32
      %dma_start3A_315 = arith.constant 20 : i32
      %dma_start3A_316 = arith.constant 0 : i32
      %dma_start3A_317 = tpu.memref_slice %arg9[%dma_start3A_315, %dma_start3A_316] : memref<400x64xf32, #tpu.memory_space<vmem>> -> memref<20x64xf32, #tpu.memory_space<vmem>>
      %dma_start3A_318 = arith.constant 0 : i32
      %dma_start3A_319 = arith.constant 0 : i32
      %dma_start3A_320 = tpu.memref_slice %arg6[%add3A_314, %dma_start3A_318, %dma_start3A_319] : memref<4096x24x128xf32, #tpu.memory_space<hbm>> -> memref<1x24x128xf32, #tpu.memory_space<hbm>>
      %dma_start3A_321 = tpu.memref_squeeze %dma_start3A_320 : memref<1x24x128xf32, #tpu.memory_space<hbm>> -> memref<24x128xf32, #tpu.memory_space<hbm>>
      %dma_start3A_322 = arith.constant 0 : i32
      %dma_start3A_323 = arith.constant 0 : i32
      %dma_start3A_324 = tpu.memref_slice %dma_start3A_321[%dma_start3A_322, %dma_start3A_323] : memref<24x128xf32, #tpu.memory_space<hbm>> -> memref<20x64xf32, #tpu.memory_space<hbm>>
      %dma_start3A_325 = arith.constant 0 : i32
      %dma_start3A_326 = arith.constant 0 : i32
      %dma_start3A_327 = tpu.memref_slice %arg6[%add3A_314, %dma_start3A_325, %dma_start3A_326] : memref<4096x24x128xf32, #tpu.memory_space<hbm>> -> memref<1x24x128xf32, #tpu.memory_space<hbm>>
      %dma_start3A_328 = tpu.memref_squeeze %dma_start3A_327 : memref<1x24x128xf32, #tpu.memory_space<hbm>> -> memref<24x128xf32, #tpu.memory_space<hbm>>
      %dma_start3A_329 = arith.constant 0 : i32
      %dma_start3A_330 = arith.constant 0 : i32
      %dma_start3A_331 = tpu.memref_slice %dma_start3A_328[%dma_start3A_329, %dma_start3A_330] : memref<24x128xf32, #tpu.memory_space<hbm>> -> memref<20x64xf32, #tpu.memory_space<hbm>>
      %dma_start3A_332 = arith.constant 20 : i32
      %dma_start3A_333 = arith.constant 0 : i32
      %dma_start3A_334 = tpu.memref_slice %arg9[%dma_start3A_332, %dma_start3A_333] : memref<400x64xf32, #tpu.memory_space<vmem>> -> memref<20x64xf32, #tpu.memory_space<vmem>>
      tpu.enqueue_dma source(%dma_start3A_334 : memref<20x64xf32, #tpu.memory_space<vmem>>) target(%dma_start3A_331 : memref<20x64xf32, #tpu.memory_space<hbm>>) target_semaphore(%arg13 : memref<!tpu.dma_semaphore, #tpu.memory_space<semaphore_mem>>)
      %add3A_335 = arith.constant 2 : i32
      %add3A_336 = arith.addi %add3A_276, %add3A_335 : i32
      %lt3A_337 = arith.constant 64 : i32
      %lt3A_338 = arith.cmpi slt, %add3A_336, %lt3A_337 : i32
      %convert_element_type3A_339 = arith.extui %lt3A_338 : i1 to i32
      %cond3A_340 = arith.constant 0 : i32
      %cond3A_341 = arith.cmpi ne, %convert_element_type3A_339, %cond3A_340 : i32
      scf.if %cond3A_341 {
        %dma_wait3A_342 = arith.constant 0 : i32
        %dma_wait3A_343 = arith.constant 0 : i32
        %dma_wait3A_344 = tpu.memref_slice %arg9[%dma_wait3A_342, %dma_wait3A_343] : memref<400x64xf32, #tpu.memory_space<vmem>> -> memref<20x64xf32, #tpu.memory_space<vmem>>
        %dma_wait3A_345 = arith.constant 0 : i32
        %dma_wait3A_346 = arith.constant 0 : i32
        %dma_wait3A_347 = tpu.memref_slice %arg6[%mul3A_2, %dma_wait3A_345, %dma_wait3A_346] : memref<4096x24x128xf32, #tpu.memory_space<hbm>> -> memref<1x24x128xf32, #tpu.memory_space<hbm>>
        %dma_wait3A_348 = tpu.memref_squeeze %dma_wait3A_347 : memref<1x24x128xf32, #tpu.memory_space<hbm>> -> memref<24x128xf32, #tpu.memory_space<hbm>>
        %dma_wait3A_349 = arith.constant 0 : i32
        %dma_wait3A_350 = arith.constant 0 : i32
        %dma_wait3A_351 = tpu.memref_slice %dma_wait3A_348[%dma_wait3A_349, %dma_wait3A_350] : memref<24x128xf32, #tpu.memory_space<hbm>> -> memref<20x64xf32, #tpu.memory_space<hbm>>
        %dma_wait3A_352 = arith.constant 0 : i32
        %dma_wait3A_353 = arith.constant 0 : i32
        %dma_wait3A_354 = tpu.memref_slice %arg6[%mul3A_2, %dma_wait3A_352, %dma_wait3A_353] : memref<4096x24x128xf32, #tpu.memory_space<hbm>> -> memref<1x24x128xf32, #tpu.memory_space<hbm>>
        %dma_wait3A_355 = tpu.memref_squeeze %dma_wait3A_354 : memref<1x24x128xf32, #tpu.memory_space<hbm>> -> memref<24x128xf32, #tpu.memory_space<hbm>>
        %dma_wait3A_356 = arith.constant 0 : i32
        %dma_wait3A_357 = arith.constant 0 : i32
        %dma_wait3A_358 = tpu.memref_slice %dma_wait3A_355[%dma_wait3A_356, %dma_wait3A_357] : memref<24x128xf32, #tpu.memory_space<hbm>> -> memref<20x64xf32, #tpu.memory_space<hbm>>
        %dma_wait3A_359 = arith.constant 0 : i32
        %dma_wait3A_360 = arith.constant 0 : i32
        %dma_wait3A_361 = tpu.memref_slice %arg9[%dma_wait3A_359, %dma_wait3A_360] : memref<400x64xf32, #tpu.memory_space<vmem>> -> memref<20x64xf32, #tpu.memory_space<vmem>>
        tpu.wait_dma2 semaphore(%arg13 : memref<!tpu.dma_semaphore, #tpu.memory_space<semaphore_mem>>) src(%dma_wait3A_361 : memref<20x64xf32, #tpu.memory_space<vmem>>) dst(%dma_wait3A_358 : memref<20x64xf32, #tpu.memory_space<hbm>>)
        %dma_wait3A_362 = arith.constant 20 : i32
        %dma_wait3A_363 = arith.constant 0 : i32
        %dma_wait3A_364 = tpu.memref_slice %arg9[%dma_wait3A_362, %dma_wait3A_363] : memref<400x64xf32, #tpu.memory_space<vmem>> -> memref<20x64xf32, #tpu.memory_space<vmem>>
        %dma_wait3A_365 = arith.constant 0 : i32
        %dma_wait3A_366 = arith.constant 0 : i32
        %dma_wait3A_367 = tpu.memref_slice %arg6[%mul3A_2, %dma_wait3A_365, %dma_wait3A_366] : memref<4096x24x128xf32, #tpu.memory_space<hbm>> -> memref<1x24x128xf32, #tpu.memory_space<hbm>>
        %dma_wait3A_368 = tpu.memref_squeeze %dma_wait3A_367 : memref<1x24x128xf32, #tpu.memory_space<hbm>> -> memref<24x128xf32, #tpu.memory_space<hbm>>
        %dma_wait3A_369 = arith.constant 0 : i32
        %dma_wait3A_370 = arith.constant 0 : i32
        %dma_wait3A_371 = tpu.memref_slice %dma_wait3A_368[%dma_wait3A_369, %dma_wait3A_370] : memref<24x128xf32, #tpu.memory_space<hbm>> -> memref<20x64xf32, #tpu.memory_space<hbm>>
        %dma_wait3A_372 = arith.constant 0 : i32
        %dma_wait3A_373 = arith.constant 0 : i32
        %dma_wait3A_374 = tpu.memref_slice %arg6[%mul3A_2, %dma_wait3A_372, %dma_wait3A_373] : memref<4096x24x128xf32, #tpu.memory_space<hbm>> -> memref<1x24x128xf32, #tpu.memory_space<hbm>>
        %dma_wait3A_375 = tpu.memref_squeeze %dma_wait3A_374 : memref<1x24x128xf32, #tpu.memory_space<hbm>> -> memref<24x128xf32, #tpu.memory_space<hbm>>
        %dma_wait3A_376 = arith.constant 0 : i32
        %dma_wait3A_377 = arith.constant 0 : i32
        %dma_wait3A_378 = tpu.memref_slice %dma_wait3A_375[%dma_wait3A_376, %dma_wait3A_377] : memref<24x128xf32, #tpu.memory_space<hbm>> -> memref<20x64xf32, #tpu.memory_space<hbm>>
        %dma_wait3A_379 = arith.constant 20 : i32
        %dma_wait3A_380 = arith.constant 0 : i32
        %dma_wait3A_381 = tpu.memref_slice %arg9[%dma_wait3A_379, %dma_wait3A_380] : memref<400x64xf32, #tpu.memory_space<vmem>> -> memref<20x64xf32, #tpu.memory_space<vmem>>
        tpu.wait_dma2 semaphore(%arg13 : memref<!tpu.dma_semaphore, #tpu.memory_space<semaphore_mem>>) src(%dma_wait3A_381 : memref<20x64xf32, #tpu.memory_space<vmem>>) dst(%dma_wait3A_378 : memref<20x64xf32, #tpu.memory_space<hbm>>)
        %add3A_382 = arith.constant 2 : i32
        %add3A_383 = arith.addi %add3A_276, %add3A_382 : i32
        %mul3A_384 = arith.constant 40 : i32
        %mul3A_385 = arith.muli %add3A_383, %mul3A_384 : i32
        %dma_start3A_386 = arith.constant 0 : i32
        %dma_start3A_387 = arith.constant 0 : i32
        %dma_start3A_388 = tpu.memref_slice %arg9[%dma_start3A_386, %dma_start3A_387] : memref<400x64xf32, #tpu.memory_space<vmem>> -> memref<40x64xf32, #tpu.memory_space<vmem>>
        %dma_start3A_389 = tpu.memref_slice %arg7[%mul3A_385] : memref<25600xi32, #tpu.memory_space<vmem>> -> memref<40xi32, #tpu.memory_space<vmem>>
        %dma_start3A_390 = arith.constant 0 : i32
        %dma_start3A_391 = arith.constant 0 : i32
        %dma_start3A_392 = tpu.memref_slice %arg2[%dma_start3A_390, %dma_start3A_391] : memref<1000000x64xf32, #tpu.memory_space<hbm>> -> memref<1000000x64xf32, #tpu.memory_space<hbm>>
        tpu.enqueue_indirect_dma source(%dma_start3A_392 : memref<1000000x64xf32, #tpu.memory_space<hbm>>) target(%dma_start3A_388 : memref<40x64xf32, #tpu.memory_space<vmem>>) offsets(%dma_start3A_389 : memref<40xi32, #tpu.memory_space<vmem>>) semaphore(%arg11 : memref<!tpu.dma_semaphore, #tpu.memory_space<semaphore_mem>>)
      } else {
      }
    }
    %scan3A_125 = arith.constant 32 : i32
    %dma_wait3A_126 = arith.constant 0 : i32
    %dma_wait3A_127 = arith.constant 0 : i32
    %dma_wait3A_128 = tpu.memref_slice %arg8[%dma_wait3A_126, %dma_wait3A_127] : memref<400x64xf32, #tpu.memory_space<vmem>> -> memref<20x64xf32, #tpu.memory_space<vmem>>
    %dma_wait3A_129 = arith.constant 0 : i32
    %dma_wait3A_130 = arith.constant 0 : i32
    %dma_wait3A_131 = tpu.memref_slice %arg6[%mul3A_2, %dma_wait3A_129, %dma_wait3A_130] : memref<4096x24x128xf32, #tpu.memory_space<hbm>> -> memref<1x24x128xf32, #tpu.memory_space<hbm>>
    %dma_wait3A_132 = tpu.memref_squeeze %dma_wait3A_131 : memref<1x24x128xf32, #tpu.memory_space<hbm>> -> memref<24x128xf32, #tpu.memory_space<hbm>>
    %dma_wait3A_133 = arith.constant 0 : i32
    %dma_wait3A_134 = arith.constant 0 : i32
    %dma_wait3A_135 = tpu.memref_slice %dma_wait3A_132[%dma_wait3A_133, %dma_wait3A_134] : memref<24x128xf32, #tpu.memory_space<hbm>> -> memref<20x64xf32, #tpu.memory_space<hbm>>
    %dma_wait3A_136 = arith.constant 0 : i32
    %dma_wait3A_137 = arith.constant 0 : i32
    %dma_wait3A_138 = tpu.memref_slice %arg6[%mul3A_2, %dma_wait3A_136, %dma_wait3A_137] : memref<4096x24x128xf32, #tpu.memory_space<hbm>> -> memref<1x24x128xf32, #tpu.memory_space<hbm>>
    %dma_wait3A_139 = tpu.memref_squeeze %dma_wait3A_138 : memref<1x24x128xf32, #tpu.memory_space<hbm>> -> memref<24x128xf32, #tpu.memory_space<hbm>>
    %dma_wait3A_140 = arith.constant 0 : i32
    %dma_wait3A_141 = arith.constant 0 : i32
    %dma_wait3A_142 = tpu.memref_slice %dma_wait3A_139[%dma_wait3A_140, %dma_wait3A_141] : memref<24x128xf32, #tpu.memory_space<hbm>> -> memref<20x64xf32, #tpu.memory_space<hbm>>
    %dma_wait3A_143 = arith.constant 0 : i32
    %dma_wait3A_144 = arith.constant 0 : i32
    %dma_wait3A_145 = tpu.memref_slice %arg8[%dma_wait3A_143, %dma_wait3A_144] : memref<400x64xf32, #tpu.memory_space<vmem>> -> memref<20x64xf32, #tpu.memory_space<vmem>>
    tpu.wait_dma2 semaphore(%arg12 : memref<!tpu.dma_semaphore, #tpu.memory_space<semaphore_mem>>) src(%dma_wait3A_145 : memref<20x64xf32, #tpu.memory_space<vmem>>) dst(%dma_wait3A_142 : memref<20x64xf32, #tpu.memory_space<hbm>>)
    %dma_wait3A_146 = arith.constant 20 : i32
    %dma_wait3A_147 = arith.constant 0 : i32
    %dma_wait3A_148 = tpu.memref_slice %arg8[%dma_wait3A_146, %dma_wait3A_147] : memref<400x64xf32, #tpu.memory_space<vmem>> -> memref<20x64xf32, #tpu.memory_space<vmem>>
    %dma_wait3A_149 = arith.constant 0 : i32
    %dma_wait3A_150 = arith.constant 0 : i32
    %dma_wait3A_151 = tpu.memref_slice %arg6[%mul3A_2, %dma_wait3A_149, %dma_wait3A_150] : memref<4096x24x128xf32, #tpu.memory_space<hbm>> -> memref<1x24x128xf32, #tpu.memory_space<hbm>>
    %dma_wait3A_152 = tpu.memref_squeeze %dma_wait3A_151 : memref<1x24x128xf32, #tpu.memory_space<hbm>> -> memref<24x128xf32, #tpu.memory_space<hbm>>
    %dma_wait3A_153 = arith.constant 0 : i32
    %dma_wait3A_154 = arith.constant 0 : i32
    %dma_wait3A_155 = tpu.memref_slice %dma_wait3A_152[%dma_wait3A_153, %dma_wait3A_154] : memref<24x128xf32, #tpu.memory_space<hbm>> -> memref<20x64xf32, #tpu.memory_space<hbm>>
    %dma_wait3A_156 = arith.constant 0 : i32
    %dma_wait3A_157 = arith.constant 0 : i32
    %dma_wait3A_158 = tpu.memref_slice %arg6[%mul3A_2, %dma_wait3A_156, %dma_wait3A_157] : memref<4096x24x128xf32, #tpu.memory_space<hbm>> -> memref<1x24x128xf32, #tpu.memory_space<hbm>>
    %dma_wait3A_159 = tpu.memref_squeeze %dma_wait3A_158 : memref<1x24x128xf32, #tpu.memory_space<hbm>> -> memref<24x128xf32, #tpu.memory_space<hbm>>
    %dma_wait3A_160 = arith.constant 0 : i32
    %dma_wait3A_161 = arith.constant 0 : i32
    %dma_wait3A_162 = tpu.memref_slice %dma_wait3A_159[%dma_wait3A_160, %dma_wait3A_161] : memref<24x128xf32, #tpu.memory_space<hbm>> -> memref<20x64xf32, #tpu.memory_space<hbm>>
    %dma_wait3A_163 = arith.constant 20 : i32
    %dma_wait3A_164 = arith.constant 0 : i32
    %dma_wait3A_165 = tpu.memref_slice %arg8[%dma_wait3A_163, %dma_wait3A_164] : memref<400x64xf32, #tpu.memory_space<vmem>> -> memref<20x64xf32, #tpu.memory_space<vmem>>
    tpu.wait_dma2 semaphore(%arg12 : memref<!tpu.dma_semaphore, #tpu.memory_space<semaphore_mem>>) src(%dma_wait3A_165 : memref<20x64xf32, #tpu.memory_space<vmem>>) dst(%dma_wait3A_162 : memref<20x64xf32, #tpu.memory_space<hbm>>)
    %dma_wait3A_166 = arith.constant 0 : i32
    %dma_wait3A_167 = arith.constant 0 : i32
    %dma_wait3A_168 = tpu.memref_slice %arg9[%dma_wait3A_166, %dma_wait3A_167] : memref<400x64xf32, #tpu.memory_space<vmem>> -> memref<20x64xf32, #tpu.memory_space<vmem>>
    %dma_wait3A_169 = arith.constant 0 : i32
    %dma_wait3A_170 = arith.constant 0 : i32
    %dma_wait3A_171 = tpu.memref_slice %arg6[%mul3A_2, %dma_wait3A_169, %dma_wait3A_170] : memref<4096x24x128xf32, #tpu.memory_space<hbm>> -> memref<1x24x128xf32, #tpu.memory_space<hbm>>
    %dma_wait3A_172 = tpu.memref_squeeze %dma_wait3A_171 : memref<1x24x128xf32, #tpu.memory_space<hbm>> -> memref<24x128xf32, #tpu.memory_space<hbm>>
    %dma_wait3A_173 = arith.constant 0 : i32
    %dma_wait3A_174 = arith.constant 0 : i32
    %dma_wait3A_175 = tpu.memref_slice %dma_wait3A_172[%dma_wait3A_173, %dma_wait3A_174] : memref<24x128xf32, #tpu.memory_space<hbm>> -> memref<20x64xf32, #tpu.memory_space<hbm>>
    %dma_wait3A_176 = arith.constant 0 : i32
    %dma_wait3A_177 = arith.constant 0 : i32
    %dma_wait3A_178 = tpu.memref_slice %arg6[%mul3A_2, %dma_wait3A_176, %dma_wait3A_177] : memref<4096x24x128xf32, #tpu.memory_space<hbm>> -> memref<1x24x128xf32, #tpu.memory_space<hbm>>
    %dma_wait3A_179 = tpu.memref_squeeze %dma_wait3A_178 : memref<1x24x128xf32, #tpu.memory_space<hbm>> -> memref<24x128xf32, #tpu.memory_space<hbm>>
    %dma_wait3A_180 = arith.constant 0 : i32
    %dma_wait3A_181 = arith.constant 0 : i32
    %dma_wait3A_182 = tpu.memref_slice %dma_wait3A_179[%dma_wait3A_180, %dma_wait3A_181] : memref<24x128xf32, #tpu.memory_space<hbm>> -> memref<20x64xf32, #tpu.memory_space<hbm>>
    %dma_wait3A_183 = arith.constant 0 : i32
    %dma_wait3A_184 = arith.constant 0 : i32
    %dma_wait3A_185 = tpu.memref_slice %arg9[%dma_wait3A_183, %dma_wait3A_184] : memref<400x64xf32, #tpu.memory_space<vmem>> -> memref<20x64xf32, #tpu.memory_space<vmem>>
    tpu.wait_dma2 semaphore(%arg13 : memref<!tpu.dma_semaphore, #tpu.memory_space<semaphore_mem>>) src(%dma_wait3A_185 : memref<20x64xf32, #tpu.memory_space<vmem>>) dst(%dma_wait3A_182 : memref<20x64xf32, #tpu.memory_space<hbm>>)
    %dma_wait3A_186 = arith.constant 20 : i32
    %dma_wait3A_187 = arith.constant 0 : i32
    %dma_wait3A_188 = tpu.memref_slice %arg9[%dma_wait3A_186, %dma_wait3A_187] : memref<400x64xf32, #tpu.memory_space<vmem>> -> memref<20x64xf32, #tpu.memory_space<vmem>>
    %dma_wait3A_189 = arith.constant 0 : i32
    %dma_wait3A_190 = arith.constant 0 : i32
    %dma_wait3A_191 = tpu.memref_slice %arg6[%mul3A_2, %dma_wait3A_189, %dma_wait3A_190] : memref<4096x24x128xf32, #tpu.memory_space<hbm>> -> memref<1x24x128xf32, #tpu.memory_space<hbm>>
    %dma_wait3A_192 = tpu.memref_squeeze %dma_wait3A_191 : memref<1x24x128xf32, #tpu.memory_space<hbm>> -> memref<24x128xf32, #tpu.memory_space<hbm>>
    %dma_wait3A_193 = arith.constant 0 : i32
    %dma_wait3A_194 = arith.constant 0 : i32
    %dma_wait3A_195 = tpu.memref_slice %dma_wait3A_192[%dma_wait3A_193, %dma_wait3A_194] : memref<24x128xf32, #tpu.memory_space<hbm>> -> memref<20x64xf32, #tpu.memory_space<hbm>>
    %dma_wait3A_196 = arith.constant 0 : i32
    %dma_wait3A_197 = arith.constant 0 : i32
    %dma_wait3A_198 = tpu.memref_slice %arg6[%mul3A_2, %dma_wait3A_196, %dma_wait3A_197] : memref<4096x24x128xf32, #tpu.memory_space<hbm>> -> memref<1x24x128xf32, #tpu.memory_space<hbm>>
    %dma_wait3A_199 = tpu.memref_squeeze %dma_wait3A_198 : memref<1x24x128xf32, #tpu.memory_space<hbm>> -> memref<24x128xf32, #tpu.memory_space<hbm>>
    %dma_wait3A_200 = arith.constant 0 : i32
    %dma_wait3A_201 = arith.constant 0 : i32
    %dma_wait3A_202 = tpu.memref_slice %dma_wait3A_199[%dma_wait3A_200, %dma_wait3A_201] : memref<24x128xf32, #tpu.memory_space<hbm>> -> memref<20x64xf32, #tpu.memory_space<hbm>>
    %dma_wait3A_203 = arith.constant 20 : i32
    %dma_wait3A_204 = arith.constant 0 : i32
    %dma_wait3A_205 = tpu.memref_slice %arg9[%dma_wait3A_203, %dma_wait3A_204] : memref<400x64xf32, #tpu.memory_space<vmem>> -> memref<20x64xf32, #tpu.memory_space<vmem>>
    tpu.wait_dma2 semaphore(%arg13 : memref<!tpu.dma_semaphore, #tpu.memory_space<semaphore_mem>>) src(%dma_wait3A_205 : memref<20x64xf32, #tpu.memory_space<vmem>>) dst(%dma_wait3A_202 : memref<20x64xf32, #tpu.memory_space<hbm>>)
    return
  }
}

</mosaic_0001>

<sc_bundles>
// kernel: kernel.3.cloned.1.call-start
scs
__scs_entry_jumppad:
0x0: {  	(pc) =	sbr.rel $0x88, $3  }
0x1: {  	(tag) =	ssettag $0x0;
	lr =	simm.s32 $0x1  }
0x2: {  	[smem:$0x3F9E] =	sst lr;
	_ =	strace $0xD0000000  }
0x3: {  	_ = 	snop  }
0x4: {  	_ = 	snop  }
0x5: {  	_ = 	snop  }
0x6: {  	_ = 	snop  }
0x7: {  	_ = 	snop  }
__scs_overlays_trampoline_lowered:
0x8: {  	[smem:$0x3FAD] =	sst s0  }
0x9: {  	[smem:$0x3FAE] =	sst s1  }
0xa: {  	[smem:$0x3FAF] =	sst s2  }
0xb: {  	[smem:$0x3FB0] =	sst s3  }
0xc: {  	[smem:$0x3FB1] =	sst s4  }
0xd: {  	[smem:$0x3FB2] =	sst s5  }
0xe: {  	[smem:$0x3FB3] =	sst s6  }
0xf: {  	[smem:$0x3FB4] =	sst s7  }
0x10: {  	[smem:$0x3FB5] =	sst s8  }
0x11: {  	[smem:$0x3FB6] =	sst s9;
	s0 =	simm.s32 @!p0 $0x0  }
0x12: {  	s1 =	sld [smem:$0x3F9C];
	s0 =	simm.s32 @p0 $0x1  }
0x13: {  	[smem:$0x3FB7] =	sst s0;
	s0 =	simm.s32 @!p1 $0x0  }
0x14: {  	s2 =	sld [smem:$0x3F9B];
	s0 =	simm.s32 @p1 $0x1  }
0x15: {  	[smem:$0x3FB8] =	sst s0;
	s0 =	simm.s32 @!p2 $0x0  }
0x16: {  	s3 =	sld [smem:$0x3FDB];
	s0 =	simm.s32 @p2 $0x1  }
0x17: {  	s4 =	simm.s32 $0x1BF5;
	[smem:$0x3FBA] =	sst s0  }
0x18: {  	s0 =	sld [smem:$0x3F9D];
	_ =	swait.ge [sflag:s4], $0x0  }
0x19: {  	s7 =	sld [smem:$0x3F9E]  }
0x1a: {  	s8 =	sadd.s32 $0xFFFFE003, lr  }
0x1b: {  	s9 =	sadd.s32 $0xFFFFFEF7, lr;
	s5 =	simm.s32 $0xFFFFFFFF;
	p2 =	slt.u32 s8, $0xFFFFF086  }
0x1c: {  	p1 =	slt.u32 s9, $0xF7A;
	s5 =	simm.s32 @!p2 $0x0  }
0x1d: {  	s5 =	simm.s32 @p1 $0x1;
	p0 =	seq.s32 s7, s2  }
0x1e: {  	s7 =	smul.u32 @!p0 $0xF7A, s2;
	p2 =	seq.s32 @!p0 s5, $0x0  }
0x1f: {  	s9 =	smul.u32 $0xF7A, s1;
	s8 =	simm.s32 @!p0 $0x1BF5;
	p2 =	por !p2, p0  }
0x20: {  	[sflag:s8] =	ssyncset.s32 @!p0 $0xFFFFF086;
	s6 =	sadd.s32 @!p0 s3, s7;
	s7 =	simm.s32 @!p0 $0x108  }
0x21: {  	s3 =	sadd.s32 s3, s9;
	s6 =	sadd.s32 @!p0 $0x88, s6;
	s7 =	simm.s32 @p2 $0x1082  }
0x22: {  	[simem:s7], [sflag:s8] =	dma.local @!p0 [hbm:s6], $0xF7A  }
0x23: {  	s9 =	sor.u32 $0xD0000000, s2;
	s6 =	simm.s32 $0x108;
	_ =	swait.ge @!p0 [sflag:s8], $0x0  }
0x24: {  	s3 =	sadd.s32 $0x88, s3;
	s6 =	simm.s32 @!p1 $0x1082;
	[sflag:s4] =	ssyncset.s32 $0xFFFFF086  }
0x25: {  	[simem:s6], [sflag:s4] =	dma.local [hbm:s3], $0xF7A  }
0x26: {  	[smem:$0x3F9E] =	sst s1;
	(tag) =	ssettag s2;
	_ =	strace s9  }
0x27: {  	s1 =	sld [smem:$0x3FAE]  }
0x28: {  	s2 =	sld [smem:$0x3FAF]  }
0x29: {  	s4 =	sld [smem:$0x3FB1]  }
0x2a: {  	p0 =	seq.s32 s5, $0x0;
	s5 =	sld [smem:$0x3FB2]  }
0x2b: {  	s6 =	sld [smem:$0x3FB3]  }
0x2c: {  	s7 =	sld [smem:$0x3FB4]  }
0x2d: {  	s3 =	simm.s32 $0x108;
	s8 =	sld [smem:$0x3FB5]  }
0x2e: {  	s3 =	simm.s32 @!p0 $0x1082;
	s9 =	sld [smem:$0x3FB6]  }
0x2f: {  	lr =	sadd.s32 s0, s3;
	s0 =	sld [smem:$0x3FAD]  }
0x30: {  	s3 =	sld [smem:$0x3FB0]  }
0x31: {  	[smem:$0x3FB9] =	sst s10  }
0x32: {  	s10 =	sld [smem:$0x3FB7];
	_ =	sdelay $0x3  }
0x33: {  	p0 =	seq.s32 s10, $0x1;
	s10 =	sld [smem:$0x3FB9];
	_ =	sdelay $0x3  }
0x34: {  	[smem:$0x3FB9] =	sst s10  }
0x35: {  	s10 =	sld [smem:$0x3FB8];
	_ =	sdelay $0x3  }
0x36: {  	p1 =	seq.s32 s10, $0x1;
	s10 =	sld [smem:$0x3FB9];
	_ =	sdelay $0x3  }
0x37: {  	[smem:$0x3FB9] =	sst s10  }
0x38: {  	s10 =	sld [smem:$0x3FBA]  }
0x39: {  	_ = 	snop;
	(pc) =	sbr.ind lr, $3  }
0x3a: {  	_ = 	snop  }
0x3b: {  	_ = 	snop  }
0x3c: {  	p2 =	seq.s32 s10, $0x1;
	s10 =	sld [smem:$0x3FB9]  }
0x3d: {  	_ =	shalt  }
0x3e: {  	_ =	shalt  }
0x3f: {  	_ =	shalt  }
0x40: {  	_ =	shalt  }
0x41: {  	_ =	shalt  }
0x42: {  	_ =	shalt  }
0x43: {  	_ =	shalt  }
0x44: {  	_ =	shalt  }
0x45: {  	_ =	shalt  }
0x46: {  	_ =	shalt  }
0x47: {  	_ =	shalt  }
0x48: {  	_ =	shalt  }
0x49: {  	_ =	shalt  }
0x4a: {  	_ =	shalt  }
0x4b: {  	_ =	shalt  }
0x4c: {  	_ =	shalt  }
0x4d: {  	_ =	shalt  }
0x4e: {  	_ =	shalt  }
0x4f: {  	_ =	shalt  }
0x50: {  	_ =	shalt  }
0x51: {  	_ =	shalt  }
0x52: {  	_ =	shalt  }
0x53: {  	_ =	shalt  }
0x54: {  	_ =	shalt  }
0x55: {  	_ =	shalt  }
0x56: {  	_ =	shalt  }
0x57: {  	_ =	shalt  }
0x58: {  	_ =	shalt  }
0x59: {  	_ =	shalt  }
0x5a: {  	_ =	shalt  }
0x5b: {  	_ =	shalt  }
0x5c: {  	_ =	shalt  }
0x5d: {  	_ =	shalt  }
0x5e: {  	_ =	shalt  }
0x5f: {  	_ =	shalt  }
0x60: {  	_ =	shalt  }
0x61: {  	_ =	shalt  }
0x62: {  	_ =	shalt  }
0x63: {  	_ =	shalt  }
0x64: {  	_ =	shalt  }
0x65: {  	_ =	shalt  }
0x66: {  	_ =	shalt  }
0x67: {  	_ =	shalt  }
0x68: {  	_ =	shalt  }
0x69: {  	_ =	shalt  }
0x6a: {  	_ =	shalt  }
0x6b: {  	_ =	shalt  }
0x6c: {  	_ =	shalt  }
0x6d: {  	_ =	shalt  }
0x6e: {  	_ =	shalt  }
0x6f: {  	_ =	shalt  }
0x70: {  	_ =	shalt  }
0x71: {  	_ =	shalt  }
0x72: {  	_ =	shalt  }
0x73: {  	_ =	shalt  }
0x74: {  	_ =	shalt  }
0x75: {  	_ =	shalt  }
0x76: {  	_ =	shalt  }
0x77: {  	_ =	shalt  }
0x78: {  	_ =	shalt  }
0x79: {  	_ =	shalt  }
0x7a: {  	_ =	shalt  }
0x7b: {  	_ =	shalt  }
0x7c: {  	_ =	shalt  }
0x7d: {  	_ =	shalt  }
0x7e: {  	_ =	shalt  }
0x7f: {  	_ =	shalt  }
0x80: {  	_ =	shalt  }
0x81: {  	_ =	shalt  }
0x82: {  	_ =	shalt  }
0x83: {  	_ =	shalt  }
0x84: {  	_ =	shalt  }
0x85: {  	_ =	shalt  }
0x86: {  	_ =	shalt  }
0x87: {  	_ =	shalt  }
.Lfunc_end0:
.L_simem_size_0:
called_computation.1_lowered:
.L_overlay_start_0:
0x88: {  	s2 =	sld [smem:$0x3FD9]  }
0x89: {  	s3 =	sld [smem:$0x3FFE];
	_ =	sdelay $0x1  }
0x8a: {  	s1 =	srdreg.scid  }
0x8b: {  	s0 =	sand.u32 $0x1, s1  }
0x8c: {  	s14 =	sshll.u32 s0, $0xA;
	s2 =	sadd.s32 s3, s2  }
0x8d: {  	s2 =	sadd.s32 s2, s14  }
0x8e: {  	[smem:$0x3FC5] =	sst s2  }
0x8f: {  	_ = 	snop  }
0x90: {  	s2 =	sld [smem:$0x3FD0];
	_ =	sdelay $0x2  }
0x91: {  	s15 =	simm.s32 $0xA;
	s4 =	simm.s32 $0x10  }
0x92: {  	[smem:s4], [sflag:s15] =	dma.local [hbm:s2], $0x1  }
0x93: {  	_ =	swait.eq [sflag:s15], $0x1  }
0x94: {  	[sflag:s15] =	ssyncset.done $0x0  }
0x95: {  	s16 =	sld [smem:$0x10];
	[sflag:s15] =	ssyncadd.s32 $0xFFFFFFFF  }
0x96: {  	s17 =	sld [smem:$0x11];
	(tm) =	ssettm $0x1  }
0x97: {  	s18 =	sld [smem:$0x3FFB];
	_ =	sdelay $0x3  }
0x98: {  	_ =	strace s18  }
0x99: {  	s4 =	sld [smem:$0x3FFC];
	_ =	sdelay $0x3  }
0x9a: {  	_ =	strace s4  }
0x9b: {  	s4 =	sld [smem:$0x3FFD];
	_ =	sdelay $0x3  }
0x9c: {  	_ =	strace s4  }
0x9d: {  	_ =	strace $0x8FFFFFFF  }
0x9e: {  	s19 =	sld [smem:$0x3FDB];
	_ =	sdelay $0x1  }
0x9f: {  	s5 =	simm.s32 $_scs_section_size  }
0xa0: {  	s6 =	simm.s32 $_size__tile_overlayer_lowered;
	s7 =	simm.s32 $_tile_overlayer_lowered  }
0xa1: {  	s22 =	simm.s32 $0x1BFF;
	s21 =	sshll.u32 s7, $0x1;
	s4 =	sadd.s32 s5, s19  }
0xa2: {  	s8 =	simm.s32 $0x0;
	s20 =	sshll.u32 s6, $0x1;
	s6 =	sadd.s32 s21, s4  }
0xa3: {  	[timem:s8], [sflag:s22] =	dma.local [hbm:s6], s20  }
0xa4: {  	_ =	swait.ge [sflag:s22], s20  }
0xa5: {  	s5 =	ssub.s32 $0x0, s20;
	[sflag:s22] =	ssyncset.done $0x0  }
0xa6: {  	[sflag:s22] =	ssyncadd.s32 s5;
	_ =	sdelay $0x1  }
0xa7: {  	s23 =	simm.s32 $0x1B8B  }
0xa8: {  	_ =	swait.ge [sflag:s23], $0x1  }
0xa9: {  	[sflag:s23] =	ssyncset.done $0x0  }
0xaa: {  	s25 =	simm.s32 $0x1B8E;
	s24 =	sld [smem:$0x3FFE];
	[sflag:s23] =	ssyncadd.s32 $0xFFFFFFFF  }
0xab: {  	s26 =	simm.s32 $execute0_lowered;
	[smem:$0x3FD2] =	sst s25  }
0xac: {  	s6 =	sshll.u32 s26, $0x1;
	_ =	strace $0x80000046;
	[dreg:$0x1] =	wrdreg $0xFFFFFFFF  }
0xad: {  	s28 =	simm.s32 $_size_execute0_lowered;
	s4 =	sadd.s32 s4, s6;
	[dreg:$0x0] =	wrdreg $0x0  }
0xae: {  	s6 =	sshll.u32 s28, $0x1;
	[dreg:$0x2] =	wrdreg s4  }
0xaf: {  	[dreg:$0x3] =	wrdreg s6  }
0xb0: {  	[dreg:$0x4] =	wrdreg $0xC0  }
0xb1: {  	_ =	task [dreg:s8], $0x5FFFF  }
0xb2: {  	[dreg:$0x1] =	wrdreg $0xFFFFFFFF  }
0xb3: {  	[dreg:$0x0] =	wrdreg $0x60  }
0xb4: {  	[dreg:$0x2] =	wrdreg s24  }
0xb5: {  	[dreg:$0x3] =	wrdreg s17  }
0xb6: {  	[dreg:$0x4] =	wrdreg s16  }
0xb7: {  	[dreg:$0x5] =	wrdreg $0x9  }
0xb8: {  	_ =	task.clear_ibuf [dreg:s8], $0x6FFFF;
	_ =	strace $0x90000046  }
0xb9: {  	s29 =	simm.s32 $0x9;
	_ =	strace $0x80000048  }
0xba: {  	_ =	swait.ge [sflag:s29], $0x1  }
0xbb: {  	[sflag:s29] =	ssyncadd.s32 $0xFFFFFFFF  }
0xbc: {  	_ =	strace $0x90000048  }
0xbd: {  	_ =	sfence  }
0xbe: {  	s30 =	sld [smem:$0x0];
	_ =	sdelay $0x2  }
0xbf: {  	s31 =	sshll.u32 s1, $0xD;
	s1 =	sshrl.u32 s1, $0x2  }
0xc0: {  	s3 =	sand.u32 $0x4000, s31;
	s1 =	sadd.s32 s1, s30  }
0xc1: {  	s0 =	sor.u32 s3, s0;
	s1 =	sshll.u32 s1, $0x11  }
0xc2: {  	s0 =	sor.u32 s1, s0  }
0xc3: {  	s0 =	sadd.s32 $0x8F2B, s0  }
0xc4: {  	[sflag:s0] =	ssyncadd.remote.s32 $0x1  }
0xc5: {  	_ =	sfence.sel $0xFFFF  }
0xc6: {  	[dreg:$0x0] =	wrdreg $0xFFFFFFFF;
	(pc) =	sbr.abs _section_cstart, $3  }
0xc7: {  	[dreg:$0x1] =	wrdreg $0xFFFFFFFF  }
0xc8: {  	_ =	task.clear_ibuf [dreg:s8], $0x2FFFF;
	_ =	strace $0x9FFFFFFF  }
0xc9: {  	(tm) =	ssettm $0x7FFFFFFF  }
tec
execute0_lowered:
.L_overlay_start_1:
0x0: {  	(tag) =	ssettag $0x1  }
0x1: {  	s3 =	srdreg.scid;
	s20 =	stileid.u32  }
0x2: {  	s4 =	sand.u32 $0x1, s3;
	s14 =	sshll.u32 s20, $0x1  }
0x3: {  	s0 =	rddreg [dreg:$0x0];
	s15 =	sor.u32 s4, s14  }
0x4: {  	s1 =	rddreg [dreg:$0x1];
	s5 =	simm.s32 $0x0;
	s7 =	smul.u32 $0xC80, s15  }
0x5: {  	[smem:$0x7FF] =	sst s5;
	s9 =	ssub.s32 $0x2, s4;
	s5 =	smul.u32 $0x140, s15  }
0x6: {  	s6 =	sshll.u32 s15, $0x7;
	s11 =	sshrl.u32 s9, $0x1;
	s15 =	smul.u32 $0xC8000, s20  }
0x7: {  	s8 =	sor.u32 $0x7C, s6;
	s9 =	ssub.s32 s9, s11;
	s11 =	smul.u32 $0x320000, s4  }
0x8: {  	s2 =	rddreg [dreg:$0x2];
	s28 =	simm.s32 $0x9600;
	s10 =	smul.u32 $0xC80, s8  }
0x9: {  	s29 =	simm.s32 $0x3;
	s6 =	sor.u32 $0x7E, s6;
	s12 =	smul.u32 $0x6400, s8  }
0xa: {  	s30 =	simm.s32 $0x2;
	s31 =	simm.s32 $0xFA00;
	s16 =	smul.u32 $0xC80, s6  }
0xb: {  	s3 =	sadd.s32 $0xF43400, s0;
	s17 =	sadd.s32 $0x181000, s0;
	s21 =	smul.u32 $0x6400, s6  }
0xc: {  	s18 =	sadd.s32 $0x1000, s0;
	s0 =	sadd.s32 $0x1180, s0;
	s23 =	smul.u32 $0x180, s8  }
0xd: {  	_ =	strace $0x80000047;
	s1 =	sadd.s32 s1, s7;
	s26 =	smul.u32 $0x180, s6  }
0xe: {  	s19 =	sadd.s32 s2, s5;
	s6 =	smul.u32 $0xC00, s6;
	[dreg:$0x4] =	wrdreg s1  }
0xf: {  	s22 =	smax.u32 s9, $0x1;
	s9 =	smul.u32 $0x640000, s20;
	[dreg:$0x5] =	wrdreg s19  }
0x10: {  	s2 =	sadd.s32 s15, s17;
	[dreg:$0x6] =	wrdreg s22;
	s24 =	sadd.s32 s17, s10  }
0x11: {  	s25 =	sshrl.u32 s12, $0x3;
	s1 =	sshrl.u32 s21, $0x3;
	s10 =	sadd.s32 s17, s16  }
0x12: {  	s14 =	sadd.s32 s18, s23;
	s12 =	sadd.s32 s23, s0;
	s13 =	sadd.s32 s18, s26  }
0x13: {  	s16 =	smul.u32 $0x64000, s4;
	s6 =	sshrl.u32 s6, $0x3;
	[dreg:$0x7] =	wrdreg s24  }
0x14: {  	s21 =	smul.u32 $0xC0000, s20;
	s5 =	sadd.s32 s17, s25;
	[dreg:$0x9] =	wrdreg s10  }
0x15: {  	s1 =	sadd.s32 s17, s1;
	[dreg:$0xb] =	wrdreg s14;
	s14 =	sadd.s32 s6, s0  }
0x16: {  	s24 =	smul.u32 $0x18000, s20;
	s20 =	simm.s32 $0x5;
	s5 =	sadd.s32 $0xC80, s5  }
0x17: {  	s1 =	sadd.s32 $0xC80, s1;
	s16 =	sadd.s32 s16, s2;
	[dreg:$0x8] =	wrdreg s5  }
0x18: {  	s2 =	simm.s32 $0x6900;
	[dreg:$0xa] =	wrdreg s1;
	s1 =	sadd.s32 s11, s9  }
0x19: {  	s26 =	sadd.s32 s24, s18;
	s24 =	simm.s32 $0x1;
	s19 =	sor.u32 $0x12C00, s1  }
0x1a: {  	s22 =	sor.u32 $0x6400, s1;
	s7 =	sshrl.u32 s19, $0x3;
	s19 =	smul.u32 $0x60000, s4  }
0x1b: {  	s5 =	simm.s32 $0x0;
	s0 =	sshrl.u32 s22, $0x3;
	s4 =	smul.u32 $0xC000, s4  }
0x1c: {  	s22 =	simm.s32 $0x6400;
	s15 =	sadd.s32 s7, s17;
	s17 =	sadd.s32 s0, s17  }
0x1d: {  	s0 =	simm.s32 $0x4;
	s23 =	sadd.s32 s19, s21;
	s19 =	sadd.s32 s4, s26  }
0x1e: {  	s21 =	simm.s32 $0x190;
	s26 =	simm.s32 $0x80;
	s1 =	sor.u32 $0x2400, s23  }
0x1f: {  	s4 =	simm.s32 $0xCD00;
	s23 =	simm.s32 $0xC800;
	s25 =	sshrl.u32 s1, $0x3  }
0x20: {  	s1 =	simm.s32 $0x28;
	s18 =	sadd.s32 s25, s18;
	s25 =	simm.s32 $0x40  }
.LBB2_1:
0x21: {  	s6 =	simm.s32 $0x0;
	s7 =	rddreg [dreg:$0x4]  }
0x22: {  	[tilespmem:s6], [sflag:$0x5] =	stream.linear.gather [hbm4b:s7+s6], $0x6400, $0x38;
	[tilespmem:$0x12C00] =	vst v63  }
0x23: {  	_ =	swait.ge [sflag:s20], $0x6400  }
0x24: {  	[sflag:s20] =	ssyncset.done $0x0  }
0x25: {  	[sflag:s20] =	ssyncadd.s32 $0xFFFF9C00  }
0x26: {  	[tilespmem:s22], [sflag:$0x1] =	stream.indirect.gather [hbm4b:s3+s21], $0x40, s6, s21, $0xb8;
	[tilespmem:$0x12C00] =	vst v63  }
0x27: {  	_ = 	snop  }
0x28: {  	[tilespmem:s23], [sflag:$0x2] =	stream.indirect.gather [hbm4b:s3+s21], $0x40, s21, s21, $0xb8;
	[tilespmem:$0x12C00] =	vst v63  }
0x29: {  	_ =	swait.ge [sflag:s24], $0x6400  }
0x2a: {  	[sflag:s24] =	ssyncset.done $0x0  }
0x2b: {  	s8 =	sadd.s32 $0x0, s16;
	[sflag:s24] =	ssyncadd.s32 $0xFFFF9C00  }
0x2c: {  	[hbm4b:s8+s25] =	stream.strided.scatter [tilespmem:s22], [sflag:$0x3], $0x3200, s26, s25, $0x38;
	[tilespmem:$0x12C00] =	vst v63  }
0x2d: {  	s9 =	sadd.s32 $0x0, s17  }
0x2e: {  	[hbm4b:s9+s25] =	stream.strided.scatter [tilespmem:s28], [sflag:$0x3], $0x3200, s26, s25, $0x38;
	[tilespmem:$0x12C00] =	vst v63  }
0x2f: {  	_ =	swait.ge [sflag:s29], $0x3200  }
0x30: {  	[sflag:s29] =	ssyncset.done $0x0  }
0x31: {  	[sflag:s29] =	ssyncadd.s32 $0xFFFFCE00  }
0x32: {  	_ =	swait.ge [sflag:s29], $0x3200  }
0x33: {  	[sflag:s29] =	ssyncset.done $0x0  }
0x34: {  	s10 =	simm.s32 $0x320;
	[sflag:s29] =	ssyncadd.s32 $0xFFFFCE00  }
0x35: {  	[tilespmem:s22], [sflag:$0x1] =	stream.indirect.gather [hbm4b:s3+s21], $0x40, s10, s21, $0xb8;
	[tilespmem:$0x12C00] =	vst v63  }
0x36: {  	_ =	swait.ge [sflag:s30], $0x6400  }
0x37: {  	[sflag:s30] =	ssyncset.done $0x0  }
0x38: {  	s6 =	sadd.s32 $0x1900, s8;
	[sflag:s30] =	ssyncadd.s32 $0xFFFF9C00  }
0x39: {  	[hbm4b:s6+s25] =	stream.strided.scatter [tilespmem:s23], [sflag:$0x4], $0x3200, s26, s25, $0x38;
	[tilespmem:$0x12C00] =	vst v63  }
0x3a: {  	s11 =	sadd.s32 $0x0, s15  }
0x3b: {  	[hbm4b:s11+s25] =	stream.strided.scatter [tilespmem:s31], [sflag:$0x4], $0x3200, s26, s25, $0x38;
	[tilespmem:$0x12C00] =	vst v63  }
0x3c: {  	_ =	swait.ge [sflag:s0], $0x3200  }
0x3d: {  	[sflag:s0] =	ssyncset.done $0x0  }
0x3e: {  	[sflag:s0] =	ssyncadd.s32 $0xFFFFCE00  }
0x3f: {  	_ =	swait.ge [sflag:s0], $0x3200  }
0x40: {  	s7 =	simm.s32 $0x3200;
	[sflag:s0] =	ssyncset.done $0x0  }
0x41: {  	s8 =	simm.s32 $0x7D0;
	s6 =	simm.s32 $0x4B0;
	[sflag:s0] =	ssyncadd.s32 $0xFFFFCE00  }
.LBB2_2:
0x42: {  	[tilespmem:s23], [sflag:$0x2] =	stream.indirect.gather [hbm4b:s3+s21], $0x40, s6, s21, $0xb8;
	[tilespmem:$0x12C00] =	vst v63  }
0x43: {  	s9 =	smov.u32 s7;
	s6 =	smov.u32 s8  }
0x44: {  	p0 =	sne.s32 s7, $0x5DC00;
	s7 =	sadd.s32 $0x3200, s7;
	_ =	swait.ge [sflag:s24], $0x6400  }
0x45: {  	[sflag:s24] =	ssyncset.done $0x0  }
0x46: {  	s10 =	sadd.s32 s9, s16;
	[sflag:s24] =	ssyncadd.s32 $0xFFFF9C00  }
0x47: {  	[hbm4b:s10+s25] =	stream.strided.scatter [tilespmem:s22], [sflag:$0x3], $0x3200, s26, s25, $0x38;
	[tilespmem:$0x12C00] =	vst v63  }
0x48: {  	s11 =	sadd.s32 s9, s17  }
0x49: {  	[hbm4b:s11+s25] =	stream.strided.scatter [tilespmem:s28], [sflag:$0x3], $0x3200, s26, s25, $0x38;
	[tilespmem:$0x12C00] =	vst v63  }
0x4a: {  	_ =	swait.ge [sflag:s29], $0x3200  }
0x4b: {  	[sflag:s29] =	ssyncset.done $0x0  }
0x4c: {  	[sflag:s29] =	ssyncadd.s32 $0xFFFFCE00  }
0x4d: {  	_ =	swait.ge [sflag:s29], $0x3200  }
0x4e: {  	[sflag:s29] =	ssyncset.done $0x0  }
0x4f: {  	s11 =	sadd.s32 $0xFFFFFE70, s8;
	[sflag:s29] =	ssyncadd.s32 $0xFFFFCE00  }
0x50: {  	[tilespmem:s22], [sflag:$0x1] =	stream.indirect.gather [hbm4b:s3+s21], $0x40, s11, s21, $0xb8;
	[tilespmem:$0x12C00] =	vst v63  }
0x51: {  	_ =	swait.ge [sflag:s30], $0x6400  }
0x52: {  	[sflag:s30] =	ssyncset.done $0x0  }
0x53: {  	s10 =	sadd.s32 $0x1900, s10;
	[sflag:s30] =	ssyncadd.s32 $0xFFFF9C00  }
0x54: {  	[hbm4b:s10+s25] =	stream.strided.scatter [tilespmem:s23], [sflag:$0x4], $0x3200, s26, s25, $0x38;
	[tilespmem:$0x12C00] =	vst v63  }
0x55: {  	s9 =	sadd.s32 s9, s15  }
0x56: {  	[hbm4b:s9+s25] =	stream.strided.scatter [tilespmem:s31], [sflag:$0x4], $0x3200, s26, s25, $0x38;
	[tilespmem:$0x12C00] =	vst v63  }
0x57: {  	_ =	swait.ge [sflag:s0], $0x3200  }
.Ltmp0:
0x58: {  	[sflag:s0] =	ssyncset.done $0x0;
	(pc) =	sbr.rel @p0 .LBB2_2-.Ltmp0, $4  }
0x59: {  	[sflag:s0] =	ssyncadd.s32 $0xFFFFCE00  }
0x5a: {  	_ =	swait.ge [sflag:s0], $0x3200  }
0x5b: {  	[sflag:s0] =	ssyncset.done $0x0  }
0x5c: {  	s8 =	sadd.s32 $0x320, s8;
	[sflag:s0] =	ssyncadd.s32 $0xFFFFCE00  }
0x5d: {  	[tilespmem:s23], [sflag:$0x2] =	stream.indirect.gather [hbm4b:s3+s21], $0x40, s6, s21, $0xb8;
	[tilespmem:$0x12C00] =	vst v63  }
0x5e: {  	_ =	swait.ge [sflag:s24], $0x6400  }
0x5f: {  	[sflag:s24] =	ssyncset.done $0x0  }
0x60: {  	s7 =	rddreg [dreg:$0x7];
	[sflag:s24] =	ssyncadd.s32 $0xFFFF9C00  }
0x61: {  	[hbm4b:s7+s25] =	stream.strided.scatter [tilespmem:s22], [sflag:$0x3], $0x3200, s26, s25, $0x38;
	[tilespmem:$0x12C00] =	vst v63  }
0x62: {  	s8 =	rddreg [dreg:$0x8]  }
0x63: {  	[hbm4b:s8+s25] =	stream.strided.scatter [tilespmem:s28], [sflag:$0x3], $0x3200, s26, s25, $0x38;
	[tilespmem:$0x12C00] =	vst v63  }
0x64: {  	_ =	swait.ge [sflag:s30], $0x6400  }
0x65: {  	[sflag:s30] =	ssyncset.done $0x0  }
0x66: {  	s9 =	rddreg [dreg:$0x9];
	[sflag:s30] =	ssyncadd.s32 $0xFFFF9C00  }
0x67: {  	[hbm4b:s9+s25] =	stream.strided.scatter [tilespmem:s23], [sflag:$0x4], $0x3200, s26, s25, $0x38;
	[tilespmem:$0x12C00] =	vst v63  }
0x68: {  	s10 =	rddreg [dreg:$0xa]  }
0x69: {  	[hbm4b:s10+s25] =	stream.strided.scatter [tilespmem:s31], [sflag:$0x4], $0x3200, s26, s25, $0x38;
	[tilespmem:$0x12C00] =	vst v63  }
0x6a: {  	_ =	swait.ge [sflag:s29], $0x3200  }
0x6b: {  	[sflag:s29] =	ssyncset.done $0x0  }
0x6c: {  	[sflag:s29] =	ssyncadd.s32 $0xFFFFCE00  }
0x6d: {  	_ =	swait.ge [sflag:s29], $0x3200  }
0x6e: {  	[sflag:s29] =	ssyncset.done $0x0  }
0x6f: {  	[sflag:s29] =	ssyncadd.s32 $0xFFFFCE00  }
0x70: {  	_ =	swait.ge [sflag:s0], $0x3200  }
0x71: {  	[sflag:s0] =	ssyncset.done $0x0  }
0x72: {  	[sflag:s0] =	ssyncadd.s32 $0xFFFFCE00  }
0x73: {  	_ =	swait.ge [sflag:s0], $0x3200  }
0x74: {  	[sflag:s0] =	ssyncset.done $0x0  }
0x75: {  	s11 =	simm.s32 $0x0;
	s7 =	rddreg [dreg:$0x5];
	[sflag:s0] =	ssyncadd.s32 $0xFFFFCE00  }
0x76: {  	[tilespmem:s11], [sflag:$0x5] =	stream.linear.gather [hbm4b:s7+s11], $0xA00, $0x38;
	[tilespmem:$0x12C00] =	vst v63  }
0x77: {  	_ =	swait.ge [sflag:s20], $0xA00  }
0x78: {  	[sflag:s20] =	ssyncset.done $0x0  }
0x79: {  	[sflag:s20] =	ssyncadd.s32 $0xFFFFF600  }
0x7a: {  	[tilespmem:s22], [sflag:$0x1] =	stream.indirect.gather [hbm4b:s3+s1], $0x40, s11, s1, $0xb8;
	[tilespmem:$0x12C00] =	vst v63  }
0x7b: {  	_ = 	snop  }
0x7c: {  	[tilespmem:s23], [sflag:$0x2] =	stream.indirect.gather [hbm4b:s3+s1], $0x40, s1, s1, $0xb8;
	[tilespmem:$0x12C00] =	vst v63  }
0x7d: {  	_ =	swait.ge [sflag:s24], $0xA00  }
0x7e: {  	[sflag:s24] =	ssyncset.done $0x0  }
0x7f: {  	s8 =	sadd.s32 $0x0, s19;
	[sflag:s24] =	ssyncadd.s32 $0xFFFFF600  }
0x80: {  	[hbm4b:s8+s25] =	stream.strided.scatter [tilespmem:s22], [sflag:$0x3], $0x500, s26, s25, $0x38;
	[tilespmem:$0x12C00] =	vst v63  }
0x81: {  	s9 =	sadd.s32 $0x180, s8  }
0x82: {  	[hbm4b:s9+s25] =	stream.strided.scatter [tilespmem:s2], [sflag:$0x3], $0x500, s26, s25, $0x38;
	[tilespmem:$0x12C00] =	vst v63  }
0x83: {  	_ =	swait.ge [sflag:s29], $0x500  }
0x84: {  	[sflag:s29] =	ssyncset.done $0x0  }
0x85: {  	[sflag:s29] =	ssyncadd.s32 $0xFFFFFB00  }
0x86: {  	_ =	swait.ge [sflag:s29], $0x500  }
0x87: {  	[sflag:s29] =	ssyncset.done $0x0  }
0x88: {  	s10 =	simm.s32 $0x50;
	[sflag:s29] =	ssyncadd.s32 $0xFFFFFB00  }
0x89: {  	[tilespmem:s22], [sflag:$0x1] =	stream.indirect.gather [hbm4b:s3+s1], $0x40, s10, s1, $0xb8;
	[tilespmem:$0x12C00] =	vst v63  }
0x8a: {  	_ =	swait.ge [sflag:s30], $0xA00  }
0x8b: {  	[sflag:s30] =	ssyncset.done $0x0  }
0x8c: {  	s6 =	sadd.s32 $0x300, s8;
	[sflag:s30] =	ssyncadd.s32 $0xFFFFF600  }
0x8d: {  	[hbm4b:s6+s25] =	stream.strided.scatter [tilespmem:s23], [sflag:$0x4], $0x500, s26, s25, $0x38;
	[tilespmem:$0x12C00] =	vst v63  }
0x8e: {  	s11 =	sadd.s32 $0x0, s18  }
0x8f: {  	[hbm4b:s11+s25] =	stream.strided.scatter [tilespmem:s4], [sflag:$0x4], $0x500, s26, s25, $0x38;
	[tilespmem:$0x12C00] =	vst v63  }
0x90: {  	_ =	swait.ge [sflag:s0], $0x500  }
0x91: {  	[sflag:s0] =	ssyncset.done $0x0  }
0x92: {  	[sflag:s0] =	ssyncadd.s32 $0xFFFFFB00  }
0x93: {  	_ =	swait.ge [sflag:s0], $0x500  }
0x94: {  	s7 =	simm.s32 $0x600;
	[sflag:s0] =	ssyncset.done $0x0  }
0x95: {  	s8 =	simm.s32 $0xC8;
	s6 =	simm.s32 $0x78;
	[sflag:s0] =	ssyncadd.s32 $0xFFFFFB00  }
.LBB2_4:
0x96: {  	[tilespmem:s23], [sflag:$0x2] =	stream.indirect.gather [hbm4b:s3+s1], $0x40, s6, s1, $0xb8;
	[tilespmem:$0x12C00] =	vst v63  }
0x97: {  	s9 =	smov.u32 s7;
	s6 =	smov.u32 s8  }
0x98: {  	p0 =	sne.s32 s7, $0xB400;
	s7 =	sadd.s32 $0x600, s7;
	_ =	swait.ge [sflag:s24], $0xA00  }
0x99: {  	[sflag:s24] =	ssyncset.done $0x0  }
0x9a: {  	s10 =	sadd.s32 s9, s19;
	[sflag:s24] =	ssyncadd.s32 $0xFFFFF600  }
0x9b: {  	[hbm4b:s10+s25] =	stream.strided.scatter [tilespmem:s22], [sflag:$0x3], $0x500, s26, s25, $0x38;
	[tilespmem:$0x12C00] =	vst v63  }
0x9c: {  	s11 =	sadd.s32 $0x180, s10  }
0x9d: {  	[hbm4b:s11+s25] =	stream.strided.scatter [tilespmem:s2], [sflag:$0x3], $0x500, s26, s25, $0x38;
	[tilespmem:$0x12C00] =	vst v63  }
0x9e: {  	_ =	swait.ge [sflag:s29], $0x500  }
0x9f: {  	[sflag:s29] =	ssyncset.done $0x0  }
0xa0: {  	[sflag:s29] =	ssyncadd.s32 $0xFFFFFB00  }
0xa1: {  	_ =	swait.ge [sflag:s29], $0x500  }
0xa2: {  	[sflag:s29] =	ssyncset.done $0x0  }
0xa3: {  	s11 =	sadd.s32 $0xFFFFFFD8, s8;
	[sflag:s29] =	ssyncadd.s32 $0xFFFFFB00  }
0xa4: {  	[tilespmem:s22], [sflag:$0x1] =	stream.indirect.gather [hbm4b:s3+s1], $0x40, s11, s1, $0xb8;
	[tilespmem:$0x12C00] =	vst v63  }
0xa5: {  	_ =	swait.ge [sflag:s30], $0xA00  }
0xa6: {  	[sflag:s30] =	ssyncset.done $0x0  }
0xa7: {  	s10 =	sadd.s32 $0x300, s10;
	[sflag:s30] =	ssyncadd.s32 $0xFFFFF600  }
0xa8: {  	[hbm4b:s10+s25] =	stream.strided.scatter [tilespmem:s23], [sflag:$0x4], $0x500, s26, s25, $0x38;
	[tilespmem:$0x12C00] =	vst v63  }
0xa9: {  	s9 =	sadd.s32 s9, s18  }
0xaa: {  	[hbm4b:s9+s25] =	stream.strided.scatter [tilespmem:s4], [sflag:$0x4], $0x500, s26, s25, $0x38;
	[tilespmem:$0x12C00] =	vst v63  }
0xab: {  	_ =	swait.ge [sflag:s0], $0x500  }
.Ltmp1:
0xac: {  	[sflag:s0] =	ssyncset.done $0x0;
	(pc) =	sbr.rel @p0 .LBB2_4-.Ltmp1, $4  }
0xad: {  	[sflag:s0] =	ssyncadd.s32 $0xFFFFFB00  }
0xae: {  	_ =	swait.ge [sflag:s0], $0x500  }
0xaf: {  	[sflag:s0] =	ssyncset.done $0x0  }
0xb0: {  	s8 =	sadd.s32 $0x50, s8;
	[sflag:s0] =	ssyncadd.s32 $0xFFFFFB00  }
0xb1: {  	[tilespmem:s23], [sflag:$0x2] =	stream.indirect.gather [hbm4b:s3+s1], $0x40, s6, s1, $0xb8;
	[tilespmem:$0x12C00] =	vst v63  }
0xb2: {  	_ =	swait.ge [sflag:s24], $0xA00  }
0xb3: {  	[sflag:s24] =	ssyncset.done $0x0  }
0xb4: {  	s10 =	rddreg [dreg:$0xb];
	[sflag:s24] =	ssyncadd.s32 $0xFFFFF600  }
0xb5: {  	[hbm4b:s10+s25] =	stream.strided.scatter [tilespmem:s22], [sflag:$0x3], $0x500, s26, s25, $0x38;
	[tilespmem:$0x12C00] =	vst v63  }
0xb6: {  	_ = 	snop  }
0xb7: {  	[hbm4b:s12+s25] =	stream.strided.scatter [tilespmem:s2], [sflag:$0x3], $0x500, s26, s25, $0x38;
	[tilespmem:$0x12C00] =	vst v63  }
0xb8: {  	_ =	swait.ge [sflag:s30], $0xA00  }
0xb9: {  	[sflag:s30] =	ssyncset.done $0x0  }
0xba: {  	[sflag:s30] =	ssyncadd.s32 $0xFFFFF600  }
0xbb: {  	[hbm4b:s13+s25] =	stream.strided.scatter [tilespmem:s23], [sflag:$0x4], $0x500, s26, s25, $0x38;
	[tilespmem:$0x12C00] =	vst v63  }
0xbc: {  	_ = 	snop  }
0xbd: {  	[hbm4b:s14+s25] =	stream.strided.scatter [tilespmem:s4], [sflag:$0x4], $0x500, s26, s25, $0x38;
	[tilespmem:$0x12C00] =	vst v63  }
0xbe: {  	_ =	swait.ge [sflag:s29], $0x500  }
0xbf: {  	[sflag:s29] =	ssyncset.done $0x0  }
0xc0: {  	[sflag:s29] =	ssyncadd.s32 $0xFFFFFB00  }
0xc1: {  	_ =	swait.ge [sflag:s29], $0x500  }
0xc2: {  	[sflag:s29] =	ssyncset.done $0x0  }
0xc3: {  	[sflag:s29] =	ssyncadd.s32 $0xFFFFFB00  }
0xc4: {  	_ =	swait.ge [sflag:s0], $0x500  }
0xc5: {  	[sflag:s0] =	ssyncset.done $0x0  }
0xc6: {  	[sflag:s0] =	ssyncadd.s32 $0xFFFFFB00  }
0xc7: {  	_ =	swait.ge [sflag:s0], $0x500  }
0xc8: {  	s5 =	sadd.s32 $0x1, s5;
	s11 =	rddreg [dreg:$0x6]  }
0xc9: {  	p0 =	sne.s32 s5, s11  }
.Ltmp2:
0xca: {  	_ = 	snop;
	(pc) =	sbr.rel @p0 .LBB2_1-.Ltmp2, $3  }
0xcb: {  	_ =	sdelay $0x1  }
0xcc: {  	[sflag:s0] =	ssyncset.done $0x0  }
0xcd: {  	[sflag:s0] =	ssyncadd.s32 $0xFFFFFB00  }
0xce: {  	_ =	sfence.sel $0x180000  }
0xcf: {  	[bflag:$0x0] =	sbarrier.arrive $0xFFFF  }
0xd0: {  	_ =	strace $0x90000047  }
0xd1: {  	s0 =	stileid.u32;
	[bflag:$0x2] =	sbarrier.arrive $0xFFFF  }
0xd2: {  	p0 =	sne.s32 s0, $0x0;
	s0 =	rddreg [dreg:$0x3]  }
0xd3: {  	s0 =	sadd.s32 @!p0 $0x100000, s0  }
0xd4: {  	[sflag:s0] =	ssyncadd.tile.s32 @!p0 $0x1;
	_ =	shalt  }
.Lfunc_end2:
_tile_overlayer_lowered:
.L_overlay_start_2:
0xd5: {  	(tag) =	ssettag $0x2  }
0xd6: {  	s0 =	rddreg [dreg:$0x0];
	s2 =	stileid.u32  }
0xd7: {  	s1 =	rddreg [dreg:$0x1];
	p0 =	sne.s32 s2, $0x0  }
0xd8: {  	s3 =	rddreg [dreg:$0x2];
	[bflag:$0x3] =	sbarrier.arrive $0xFFFF;
	s2 =	simm.s32 @!p0 $0x1C05  }
0xd9: {  	[timem:s3], [sflag:s2] =	dma.local @!p0 [hbm:s0], s1  }
0xda: {  	s0 =	simm.s32 @!p0 $0x5  }
0xdb: {  	_ =	swait.ge @!p0 [sflag:s0], s1  }
0xdc: {  	s1 =	ssub.s32 @!p0 $0x0, s1;
	[sflag:s0] =	ssyncset.done @!p0 $0x0  }
0xdd: {  	[sflag:s0] =	ssyncadd.s32 @!p0 s1  }
0xde: {  	[bflag:$0x3] =	sbarrier.arrive $0xFFFF  }
0xdf: {  	_ =	shalt  }

// kernel: sparse-core-data-format-call.cloned.1.call-start
scs
called_computation_lowered:
.L_overlay_start_0:
0x0: {  	s2 =	sld [smem:$0x3FD9]  }
0x1: {  	s3 =	sld [smem:$0x3FFE];
	_ =	sdelay $0x1  }
0x2: {  	s1 =	srdreg.scid  }
0x3: {  	s0 =	sand.u32 $0x1, s1  }
0x4: {  	s15 =	sshll.u32 s0, $0xA;
	s2 =	sadd.s32 s3, s2  }
0x5: {  	s2 =	sadd.s32 s2, s15  }
0x6: {  	[smem:$0x3FC5] =	sst s2  }
0x7: {  	_ = 	snop  }
0x8: {  	s2 =	sld [smem:$0x3FD0];
	_ =	sdelay $0x2  }
0x9: {  	s16 =	simm.s32 $0xA;
	s4 =	simm.s32 $0x10  }
0xa: {  	[smem:s4], [sflag:s16] =	dma.local [hbm:s2], $0x1  }
0xb: {  	_ =	swait.eq [sflag:s16], $0x1  }
0xc: {  	[sflag:s16] =	ssyncset.done $0x0  }
0xd: {  	[sflag:s16] =	ssyncadd.s32 $0xFFFFFFFF  }
0xe: {  	s17 =	sld [smem:$0x10];
	(tm) =	ssettm $0x1  }
0xf: {  	s18 =	sld [smem:$0x3FFB];
	_ =	sdelay $0x3  }
0x10: {  	_ =	strace s18  }
0x11: {  	s3 =	sld [smem:$0x3FFC];
	_ =	sdelay $0x3  }
0x12: {  	_ =	strace s3  }
0x13: {  	s3 =	sld [smem:$0x3FFD];
	_ =	sdelay $0x3  }
0x14: {  	_ =	strace s3  }
0x15: {  	_ =	strace $0x8FFFFFFF  }
0x16: {  	s19 =	sld [smem:$0x3FDB];
	_ =	sdelay $0x1  }
0x17: {  	s20 =	simm.s32 $_scs_section_size  }
0x18: {  	s5 =	simm.s32 $_size__tile_overlayer_lowered;
	s6 =	simm.s32 $_tile_overlayer_lowered  }
0x19: {  	s23 =	simm.s32 $0x1BFF;
	s22 =	sshll.u32 s6, $0x1;
	s3 =	sadd.s32 s20, s19  }
0x1a: {  	s7 =	simm.s32 $0x0;
	s21 =	sshll.u32 s5, $0x1;
	s5 =	sadd.s32 s22, s3  }
0x1b: {  	[timem:s7], [sflag:s23] =	dma.local [hbm:s5], s21  }
0x1c: {  	_ =	swait.ge [sflag:s23], s21  }
0x1d: {  	s4 =	ssub.s32 $0x0, s21;
	[sflag:s23] =	ssyncset.done $0x0  }
0x1e: {  	[sflag:s23] =	ssyncadd.s32 s4;
	_ =	sdelay $0x1  }
0x1f: {  	s24 =	simm.s32 $0x1B8B  }
0x20: {  	_ =	swait.ge [sflag:s24], $0x1  }
0x21: {  	[sflag:s24] =	ssyncset.done $0x0  }
0x22: {  	s26 =	simm.s32 $0x1B8E;
	s25 =	sld [smem:$0x3FFE];
	[sflag:s24] =	ssyncadd.s32 $0xFFFFFFFF  }
0x23: {  	s27 =	simm.s32 $execute0_lowered;
	[smem:$0x3FD2] =	sst s26  }
0x24: {  	s5 =	sshll.u32 s27, $0x1;
	_ =	strace $0x80000049;
	[dreg:$0x1] =	wrdreg $0xFFFFFFFF  }
0x25: {  	s28 =	simm.s32 $_size_execute0_lowered;
	s3 =	sadd.s32 s3, s5;
	[dreg:$0x0] =	wrdreg $0x0  }
0x26: {  	s5 =	sshll.u32 s28, $0x1;
	[dreg:$0x2] =	wrdreg s3  }
0x27: {  	[dreg:$0x3] =	wrdreg s5  }
0x28: {  	[dreg:$0x4] =	wrdreg $0xC0  }
0x29: {  	_ =	task [dreg:s7], $0x5FFFF  }
0x2a: {  	[dreg:$0x1] =	wrdreg $0xFFFFFFFF  }
0x2b: {  	[dreg:$0x0] =	wrdreg $0x60  }
0x2c: {  	[dreg:$0x2] =	wrdreg s25  }
0x2d: {  	[dreg:$0x3] =	wrdreg s17  }
0x2e: {  	[dreg:$0x4] =	wrdreg $0x9  }
0x2f: {  	_ =	task.clear_ibuf [dreg:s7], $0x5FFFF;
	_ =	strace $0x90000049  }
0x30: {  	s29 =	simm.s32 $0x9;
	_ =	strace $0x8000004B  }
0x31: {  	_ =	swait.ge [sflag:s29], $0x1  }
0x32: {  	[sflag:s29] =	ssyncadd.s32 $0xFFFFFFFF  }
0x33: {  	_ =	strace $0x9000004B  }
0x34: {  	_ =	sfence  }
0x35: {  	s30 =	sld [smem:$0x0];
	_ =	sdelay $0x2  }
0x36: {  	s31 =	sshll.u32 s1, $0xD;
	s1 =	sshrl.u32 s1, $0x2  }
0x37: {  	s3 =	sand.u32 $0x4000, s31;
	s1 =	sadd.s32 s1, s30  }
0x38: {  	s0 =	sor.u32 s3, s0;
	s1 =	sshll.u32 s1, $0x11  }
0x39: {  	s0 =	sor.u32 s1, s0  }
0x3a: {  	s0 =	sadd.s32 $0x8F2B, s0  }
0x3b: {  	[sflag:s0] =	ssyncadd.remote.s32 $0x1  }
0x3c: {  	_ =	sfence.sel $0xFFFF  }
0x3d: {  	[dreg:$0x0] =	wrdreg $0xFFFFFFFF;
	(pc) =	sbr.abs _section_cstart, $3  }
0x3e: {  	[dreg:$0x1] =	wrdreg $0xFFFFFFFF  }
0x3f: {  	_ =	task.clear_ibuf [dreg:s7], $0x2FFFF;
	_ =	strace $0x9FFFFFFF  }
0x40: {  	(tm) =	ssettm $0x7FFFFFFF  }
0x41: {  	_ =	shalt  }
tec
execute0_lowered:
.L_overlay_start_1:
0x0: {  	(tag) =	ssettag $0x1  }
0x1: {  	s0 =	srdreg.scid  }
0x2: {  	s1 =	sshll.u32 s0, $0x4  }
0x3: {  	s0 =	stileid.u32;
	s1 =	sand.u32 $0x10, s1  }
0x4: {  	s1 =	sor.u32 s0, s1  }
0x5: {  	s6 =	rddreg [dreg:$0x0];
	s4 =	simm.s32 $0x1;
	s2 =	sshll.u32 s1, $0x7  }
0x6: {  	s7 =	simm.s32 $0x2;
	s12 =	simm.s32 $0x0;
	s1 =	ssub.s32 $0x1000, s2  }
0x7: {  	s8 =	simm.s32 $0x8000;
	s13 =	simm.s32 $0x0;
	s3 =	sand.u32 $0xF80, s1  }
0x8: {  	s9 =	simm.s32 $0x0;
	s5 =	sshrl.u32 s1, $0xC;
	p0 =	sne.s32 s3, $0x0  }
.Ltmp0:
0x9: {  	s1 =	rddreg [dreg:$0x2];
	s4 =	simm.s32 @!p0 $0x0;
	(pc) =	sbr.rel .LBB1_1-.Ltmp0, $4  }
0xa: {  	s11 =	simm.s32 $0x0;
	s3 =	rddreg [dreg:$0x1];
	s5 =	sadd.s32 s4, s5  }
0xb: {  	_ =	strace $0x8000004A;
	s4 =	simm.s32 $0x1;
	s5 =	smul.u32 $0xC8, s5  }
0xc: {  	s6 =	sadd.s32 $0x181000, s6;
	s10 =	smov.u32 s2;
	[sflag:s4] =	ssyncpa.u1 $0x0  }
0xd: {  	p0 =	por $0x0, $0x0;
	[sflag:s7] =	ssyncpa.u1 $0x0;
	s7 =	sor.u32 $0x1, s5  }
.LBB1_4:
0xe: {  	s16 =	sshll.u32 s13, $0x3;
	s17 =	sand.u32 $0x78, s13  }
0xf: {  	s30 =	sand.u32 $0x7E00, s13;
	s12 =	sshll.u32 s12, $0xF;
	s16 =	sand.u32 $0xC00, s16  }
0x10: {  	[tilespmem:s15+$0x810 ss:$0x81] =	vst.msk $0xffff, v2;
	s31 =	sand.u32 $0x7, s13;
	s16 =	sor.u32 s17, s16;
	s17 =	sadd.s32 s3, s30  }
0x11: {  	[tilespmem:s15+$0x1020 ss:$0x81] =	vst.msk $0xffff, v0;
	s13 =	sshll.u32 s31, $0x12;
	s12 =	sadd.s32 s12, s17;
	s16 =	sshrl.u32 s16, $0x3  }
0x12: {  	[tilespmem:s15+$0x0 ss:$0x81] =	vst.msk $0xffff, v1;
	s13 =	sor.u32 $0x400, s13;
	s12 =	sadd.s32 s16, s12  }
0x13: {  	[hbm4b:s12+s13] =	stream.strided.scatter [tilespmem:s14], [sflag:$0x2], $0x2000, s8, s13, $0x20;
	[tilespmem:$0x8080] =	vst v63  }
.LBB1_5:
0x14: {  	s14 =	sadd.s32 $0x1, s9  }
0x15: {  	s12 =	sadd.s32 $0x1000, s10;
	s16 =	smov.u32 s10;
	p2 =	sgt.s32 s14, $0xC7  }
0x16: {  	s16 =	smov.u32 @p2 s12  }
0x17: {  	s14 =	simm.s32 @p2 $0x0;
	p2 =	sgt.s32 s16, $0xFFF  }
0x18: {  	s16 =	smov.u32 @p2 s2;
	p2 =	sne.s32 s11, s7  }
.Ltmp1:
0x19: {  	p1 =	slt.u32 s11, $0x2;
	(pc) =	sbr.rel @!p2 .LBB1_6-.Ltmp1, $4  }
0x1a: {  	s15 =	simm.s32 @!p1 $0x2  }
0x1b: {  	s13 =	smov.u32 s10;
	p0 =	por !p0, !p0;
	_ =	swait.ge @!p1 [sflag:s15], $0x2000  }
0x1c: {  	s12 =	smov.u32 s9;
	[sflag:s15] =	ssyncset.done @!p1 $0x0;
	s9 =	smov.u32 s14  }
0x1d: {  	s11 =	sadd.s32 $0x1, s11;
	[sflag:s15] =	ssyncadd.s32 @!p1 $0xFFFFE000;
	s10 =	smov.u32 s16  }
.LBB1_1:
0x1e: {  	p1 =	sge.u32 s11, s5  }
0x1f: {  	s14 =	sand.u32 @!p1 $0x1FFFFFF, s9  }
0x20: {  	s15 =	smulhi.u32 @!p1 $0x147AE15, s14;
	_ =	sdelay $0x1  }
0x21: {  	s15 =	smul.u32 @!p1 $0xC8, s15  }
0x22: {  	s16 =	sxor.u32 @!p1 $0xFFFFFFFF, s11;
	s17 =	smul.u32 @!p1 $0xC80, s10  }
0x23: {  	s31 =	sadd.s32 $0xFFFFFFFF, s11;
	s16 =	sshll.u32 @!p1 s16, $0xD;
	s14 =	ssub.s32 @!p1 s14, s15  }
0x24: {  	s15 =	sand.u32 @!p1 $0x2000, s16;
	s16 =	sadd.s32 @!p1 s6, s17;
	s14 =	sshll.u32 @!p1 s14, $0x4  }
0x25: {  	s17 =	simm.s32 @!p1 $0x6400;
	s14 =	sadd.s32 @!p1 s14, s16;
	s16 =	simm.s32 @!p1 $0x40  }
0x26: {  	[tilespmem:s15], [sflag:$0x1] =	stream.strided.gather @!p1 [hbm4b:s14+s16], $0x2000, s17, s16, $0x38;
	[tilespmem:$0x8080] =	vst v63  }
0x27: {  	p1 =	sge.u32 s31, s5  }
.Ltmp2:
0x28: {  	_ = 	snop;
	(pc) =	sbr.rel @p1 .LBB1_5-.Ltmp2, $1  }
0x29: {  	_ =	sdelay $0x3  }
0x2a: {  	s14 =	simm.s32 $0x1  }
0x2b: {  	_ =	swait.ge [sflag:s4], $0x2000;
	s14 =	simm.s32 @!p0 $0x0  }
0x2c: {  	[sflag:s4] =	ssyncset.done $0x0;
	s15 =	sshll.u32 s14, $0xD  }
0x2d: {  	[sflag:s4] =	ssyncadd.s32 $0xFFFFE000;
	s18 =	sor.u32 $0x20, s15  }
0x2e: {  	s14 =	smul.u32 $0x8100, s14;
	v3 =	vld [tilespmem:s18+$0x10]  }
0x2f: {  	s30 =	sand.u32 $0x1, s11;
	v2 =	vld [tilespmem:s18+$0xFFFFFFF0]  }
0x30: {  	s15 =	smul.u32 $0x8100, s30;
	s14 =	sshrl.u32 s14, $0x2;
	v0 =	vld [tilespmem:s18+$0x0]  }
0x31: {  	v1 =	vld [tilespmem:s18+$0xFFFFFFE0];
	s16 =	sor.u32 $0x4000, s14  }
0x32: {  	s31 =	sshrl.u32 s15, $0x2;
	s15 =	sadd.s32 $0x0, s16  }
0x33: {  	s17 =	simm.s32 $0x4;
	s18 =	sadd.s32 $0x40, s18;
	s14 =	sor.u32 $0x4000, s31;
	[tilespmem:s15+$0x1830 ss:$0x81] =	vst.msk $0xffff, v3  }
.LBB1_3:
0x34: {  	v3 =	vld [tilespmem:s18+$0x10];
	p1 =	sne.s32 s17, $0x1FC;
	[tilespmem:s15+$0x810 ss:$0x81] =	vst.msk $0xffff, v2;
	s19 =	smov.u32 s17;
	s17 =	sadd.s32 $0x4, s17  }
.Ltmp3:
0x35: {  	v2 =	vld [tilespmem:s18+$0xFFFFFFF0];
	[tilespmem:s15+$0x1020 ss:$0x81] =	vst.msk $0xffff, v0;
	(pc) =	sbr.rel @p1 .LBB1_3-.Ltmp3, $4  }
0x36: {  	v0 =	vld [tilespmem:s18+$0x0];
	[tilespmem:s15+$0x0 ss:$0x81] =	vst.msk $0xffff, v1  }
0x37: {  	s15 =	sshra.s32 s19, $0x2;
	v1 =	vld [tilespmem:s18+$0xFFFFFFE0]  }
0x38: {  	s15 =	sadd.s32 s15, s16  }
0x39: {  	s18 =	sadd.s32 $0x40, s18;
	[tilespmem:s15+$0x1830 ss:$0x81] =	vst.msk $0xffff, v3  }
.Ltmp4:
0x3a: {  	_ = 	snop;
	(pc) =	sbr.rel .LBB1_4-.Ltmp4, $1  }
0x3b: {  	_ =	sdelay $0x3  }
.LBB1_6:
0x3c: {  	_ =	sfence.sel $0x180000  }
0x3d: {  	s2 =	simm.s32 $0x1;
	[bflag:$0x0] =	sbarrier.arrive $0xFFFF  }
0x3e: {  	s31 =	simm.s32 $0x2;
	[sflag:s2] =	ssyncpa.u1 $0x1  }
0x3f: {  	[sflag:s31] =	ssyncpa.u1 $0x1  }
0x40: {  	p0 =	sne.s32 s0, $0x0;
	_ =	strace $0x9000004A  }
0x41: {  	s0 =	sadd.s32 @!p0 $0x100000, s1;
	[bflag:$0x2] =	sbarrier.arrive $0xFFFF  }
0x42: {  	[sflag:s0] =	ssyncadd.tile.s32 @!p0 $0x1;
	_ =	shalt  }
.Lfunc_end1:
_tile_overlayer_lowered:
.L_overlay_start_2:
0x43: {  	(tag) =	ssettag $0x2  }
0x44: {  	s0 =	rddreg [dreg:$0x0];
	s2 =	stileid.u32  }
0x45: {  	s1 =	rddreg [dreg:$0x1];
	p0 =	sne.s32 s2, $0x0  }
0x46: {  	s3 =	rddreg [dreg:$0x2];
	[bflag:$0x3] =	sbarrier.arrive $0xFFFF;
	s2 =	simm.s32 @!p0 $0x1C01  }
0x47: {  	[timem:s3], [sflag:s2] =	dma.local @!p0 [hbm:s0], s1  }
0x48: {  	s0 =	simm.s32 @!p0 $0x1  }
0x49: {  	_ =	swait.ge @!p0 [sflag:s0], s1  }
0x4a: {  	s1 =	ssub.s32 @!p0 $0x0, s1;
	[sflag:s0] =	ssyncset.done @!p0 $0x0  }
0x4b: {  	[sflag:s0] =	ssyncadd.s32 @!p0 s1  }
0x4c: {  	[bflag:$0x3] =	sbarrier.arrive $0xFFFF  }
0x4d: {  	_ =	shalt  }

</sc_bundles>
